<compile_context>
chip_gen: v7x
topology: tpu7x:2x2x1
jax: 0.10.2.dev20260603
libtpu: 0.0.44.dev20260713+nightly
codegen_flags: <defaults>
</compile_context>

<pallas_src>
import functools

import jax
import jax.numpy as jnp
from jax import lax
from jax.experimental import pallas as pl
from jax.experimental.pallas import tpu as pltpu
from jax.experimental.pallas import tpu_sc as plsc

B = 16384 * 200
D = 32
NW = 32
C = 1024
ROWS_PER_W = B // NW
NCHUNKS = ROWS_PER_W // C

_mesh = plsc.VectorSubcoreMesh(core_axis_name="c", subcore_axis_name="s")


@functools.partial(
    pl.kernel,
    mesh=_mesh,
    out_type=jax.ShapeDtypeStruct((B, D), jnp.float32),
    compiler_params=pltpu.CompilerParams(use_tc_tiling_on_sc=False),
    scratch_types=[
        pltpu.VMEM((C,), jnp.int32),
        pltpu.VMEM((C,), jnp.int32),
        pltpu.VMEM((C,), jnp.int32),
        pltpu.VMEM((C,), jnp.int32),
        pltpu.VMEM((C, D), jnp.float32),
        pltpu.VMEM((C, D), jnp.float32),
        pltpu.SemaphoreType.DMA,
        pltpu.SemaphoreType.DMA,
        pltpu.SemaphoreType.DMA,
        pltpu.SemaphoreType.DMA,
        pltpu.SemaphoreType.DMA,
        pltpu.SemaphoreType.DMA,
        pltpu.SemaphoreType.DMA,
        pltpu.SemaphoreType.DMA,
    ],
)
def _sc_gather(idx_hbm, table_hbm, out_hbm,
               ix0, ix1, ix2, ix3, rows0, rows1,
               is0, is1, is2, is3, gs0, gs1, ws0, ws1):
    idx_v = (ix0, ix1, ix2, ix3)
    isem = (is0, is1, is2, is3)
    rows_v = (rows0, rows1)
    gsem = (gs0, gs1)
    wsem = (ws0, ws1)

    wid = lax.axis_index("s") * 2 + lax.axis_index("c")
    base = wid * ROWS_PER_W

    def fire_idx(g, q):
        pltpu.async_copy(idx_hbm.at[pl.ds(base + g * C, C)], idx_v[q],
                         isem[q])

    def wait_idx(q):
        pltpu.make_async_copy(idx_hbm.at[pl.ds(0, C)], idx_v[q],
                              isem[q]).wait()

    def fire_gathers(q, b):
        pltpu.async_copy(table_hbm.at[idx_v[q]], rows_v[b], gsem[b])

    def wait_gathers(b):
        pltpu.make_async_copy(table_hbm.at[pl.ds(0, C)], rows_v[b],
                              gsem[b]).wait()

    def fire_write(g, b):
        pltpu.async_copy(rows_v[b], out_hbm.at[pl.ds(base + g * C, C)],
                         wsem[b])

    def drain_write(b):
        pltpu.make_async_copy(rows_v[b], out_hbm.at[pl.ds(0, C)],
                              wsem[b]).wait()

    def chunk_step(g, k, more_idx, more_gather):
        b = k % 2
        if more_idx:
            fire_idx(g + 3, (k + 3) % 4)
        wait_gathers(b)
        fire_write(g, b)
        drain_write(b)
        if more_gather:
            wait_idx((k + 2) % 4)
            fire_gathers((k + 2) % 4, b)

    for k in range(3):
        fire_idx(k, k)
    for k in range(2):
        wait_idx(k)
        fire_gathers(k, k)

    def step(t, carry):
        for k in range(4):
            chunk_step(4 * t + k, k, True, True)
        return carry

    lax.fori_loop(0, NCHUNKS // 4 - 1, step, 0)

    for k in range(4):
        g = NCHUNKS - 4 + k
        chunk_step(g, k, g + 3 < NCHUNKS, g + 2 < NCHUNKS)


def kernel(input, weight):
    idx_flat = input.reshape(B)
    out = _sc_gather(idx_flat, weight)
    return out.reshape(input.shape[0], input.shape[1], D)

# --- scband reference (transcript-rebuilt; emitter-appended) ---
"""Pipeline reference for scband-embedding-layer-12283606468042 (READ-ONLY COPY).

The authoritative reference and input builder live on the scoring server;
editing this copy changes nothing except your own understanding.
"""

import jax, jax.numpy as jnp
import numpy as np

VOCAB = 1000000
EMBED_DIM = 32

def setup_inputs(seed: int = 0) -> dict:
    key = jax.random.key(seed)
    k_idx, k_w = jax.random.split(key)
    input = jax.random.randint(k_idx, (16384, 200), 0, VOCAB, dtype=jnp.int64 if jax.config.jax_enable_x64 else jnp.int32).astype(jnp.int32)
    weight = jax.random.normal(k_w, (VOCAB, EMBED_DIM), dtype=jnp.float32)
    return {"input": input, "weight": weight}

def reference(input, weight):
    # nn.Embedding forward: row gather from the embedding table
    return jnp.take(weight, input, axis=0)

if __name__ == "__main__":
    import jax
    _d = setup_inputs()
    print(jax.jit(kernel)(*tuple(_d.values())))

</pallas_src>

<mosaic_0001>
#map = affine_map<(d0, d1) -> (0)>
#map1 = affine_map<(d0, d1) -> (0, 0)>
module attributes {stable_mosaic.version = 14 : i64} {
  func.func @_sc_gather(%arg0: i32, %arg1: i32, %arg2: memref<3276800xi32, #tpu.memory_space<hbm>>, %arg3: memref<1000000x32xf32, #tpu.memory_space<hbm>>, %arg4: memref<3276800x32xf32, #tpu.memory_space<hbm>>, %arg5: memref<1024xi32, #tpu.memory_space<vmem>>, %arg6: memref<1024xi32, #tpu.memory_space<vmem>>, %arg7: memref<1024xi32, #tpu.memory_space<vmem>>, %arg8: memref<1024xi32, #tpu.memory_space<vmem>>, %arg9: memref<1024x32xf32, #tpu.memory_space<vmem>>, %arg10: memref<1024x32xf32, #tpu.memory_space<vmem>>, %arg11: memref<!tpu.dma_semaphore, #tpu.memory_space<semaphore_mem>>, %arg12: memref<!tpu.dma_semaphore, #tpu.memory_space<semaphore_mem>>, %arg13: memref<!tpu.dma_semaphore, #tpu.memory_space<semaphore_mem>>, %arg14: memref<!tpu.dma_semaphore, #tpu.memory_space<semaphore_mem>>, %arg15: memref<!tpu.dma_semaphore, #tpu.memory_space<semaphore_mem>>, %arg16: memref<!tpu.dma_semaphore, #tpu.memory_space<semaphore_mem>>, %arg17: memref<!tpu.dma_semaphore, #tpu.memory_space<semaphore_mem>>, %arg18: memref<!tpu.dma_semaphore, #tpu.memory_space<semaphore_mem>>) attributes {dimension_semantics = [#tpu.dimension_semantics<core_parallel>, #tpu.dimension_semantics<subcore_parallel>], iteration_bounds = array<i64: 2, 16>, scalar_prefetch = 0 : i64, scratch_operands = 14 : i64, tpu.core_type = #tpu.core_type<sc_vector_subcore>, window_params = [{transform_indices = #map}, {transform_indices = #map1}, {transform_indices = #map1}]} {
    %mul3A = arith.constant 2 : i32
    %mul3A_0 = arith.muli %arg1, %mul3A : i32
    %add3A = arith.addi %mul3A_0, %arg0 : i32
    %mul3A_1 = arith.constant 102400 : i32
    %mul3A_2 = arith.muli %add3A, %mul3A_1 : i32
    %add3A_3 = arith.constant 0 : i32
    %add3A_4 = arith.addi %mul3A_2, %add3A_3 : i32
    %dma_start3A = tpu.memref_slice %arg2[%add3A_4] : memref<3276800xi32, #tpu.memory_space<hbm>> -> memref<1024xi32, #tpu.memory_space<hbm>>
    %dma_start3A_5 = tpu.memref_slice %arg2[%add3A_4] : memref<3276800xi32, #tpu.memory_space<hbm>> -> memref<1024xi32, #tpu.memory_space<hbm>>
    tpu.enqueue_dma source(%dma_start3A_5 : memref<1024xi32, #tpu.memory_space<hbm>>) target(%arg5 : memref<1024xi32, #tpu.memory_space<vmem>>) target_semaphore(%arg11 : memref<!tpu.dma_semaphore, #tpu.memory_space<semaphore_mem>>)
    %add3A_6 = arith.constant 1024 : i32
    %add3A_7 = arith.addi %mul3A_2, %add3A_6 : i32
    %dma_start3A_8 = tpu.memref_slice %arg2[%add3A_7] : memref<3276800xi32, #tpu.memory_space<hbm>> -> memref<1024xi32, #tpu.memory_space<hbm>>
    %dma_start3A_9 = tpu.memref_slice %arg2[%add3A_7] : memref<3276800xi32, #tpu.memory_space<hbm>> -> memref<1024xi32, #tpu.memory_space<hbm>>
    tpu.enqueue_dma source(%dma_start3A_9 : memref<1024xi32, #tpu.memory_space<hbm>>) target(%arg6 : memref<1024xi32, #tpu.memory_space<vmem>>) target_semaphore(%arg12 : memref<!tpu.dma_semaphore, #tpu.memory_space<semaphore_mem>>)
    %add3A_10 = arith.constant 2048 : i32
    %add3A_11 = arith.addi %mul3A_2, %add3A_10 : i32
    %dma_start3A_12 = tpu.memref_slice %arg2[%add3A_11] : memref<3276800xi32, #tpu.memory_space<hbm>> -> memref<1024xi32, #tpu.memory_space<hbm>>
    %dma_start3A_13 = tpu.memref_slice %arg2[%add3A_11] : memref<3276800xi32, #tpu.memory_space<hbm>> -> memref<1024xi32, #tpu.memory_space<hbm>>
    tpu.enqueue_dma source(%dma_start3A_13 : memref<1024xi32, #tpu.memory_space<hbm>>) target(%arg7 : memref<1024xi32, #tpu.memory_space<vmem>>) target_semaphore(%arg13 : memref<!tpu.dma_semaphore, #tpu.memory_space<semaphore_mem>>)
    %dma_wait3A = arith.constant 0 : i32
    %dma_wait3A_14 = tpu.memref_slice %arg2[%dma_wait3A] : memref<3276800xi32, #tpu.memory_space<hbm>> -> memref<1024xi32, #tpu.memory_space<hbm>>
    %dma_wait3A_15 = arith.constant 0 : i32
    %dma_wait3A_16 = tpu.memref_slice %arg2[%dma_wait3A_15] : memref<3276800xi32, #tpu.memory_space<hbm>> -> memref<1024xi32, #tpu.memory_space<hbm>>
    tpu.wait_dma2 semaphore(%arg11 : memref<!tpu.dma_semaphore, #tpu.memory_space<semaphore_mem>>) src(%dma_wait3A_16 : memref<1024xi32, #tpu.memory_space<hbm>>) dst(%arg5 : memref<1024xi32, #tpu.memory_space<vmem>>)
    %dma_start3A_17 = arith.constant 0 : i32
    %dma_start3A_18 = arith.constant 0 : i32
    %dma_start3A_19 = tpu.memref_slice %arg3[%dma_start3A_17, %dma_start3A_18] : memref<1000000x32xf32, #tpu.memory_space<hbm>> -> memref<1000000x32xf32, #tpu.memory_space<hbm>>
    tpu.enqueue_indirect_dma source(%dma_start3A_19 : memref<1000000x32xf32, #tpu.memory_space<hbm>>) target(%arg9 : memref<1024x32xf32, #tpu.memory_space<vmem>>) offsets(%arg5 : memref<1024xi32, #tpu.memory_space<vmem>>) semaphore(%arg15 : memref<!tpu.dma_semaphore, #tpu.memory_space<semaphore_mem>>)
    %dma_wait3A_20 = arith.constant 0 : i32
    %dma_wait3A_21 = tpu.memref_slice %arg2[%dma_wait3A_20] : memref<3276800xi32, #tpu.memory_space<hbm>> -> memref<1024xi32, #tpu.memory_space<hbm>>
    %dma_wait3A_22 = arith.constant 0 : i32
    %dma_wait3A_23 = tpu.memref_slice %arg2[%dma_wait3A_22] : memref<3276800xi32, #tpu.memory_space<hbm>> -> memref<1024xi32, #tpu.memory_space<hbm>>
    tpu.wait_dma2 semaphore(%arg12 : memref<!tpu.dma_semaphore, #tpu.memory_space<semaphore_mem>>) src(%dma_wait3A_23 : memref<1024xi32, #tpu.memory_space<hbm>>) dst(%arg6 : memref<1024xi32, #tpu.memory_space<vmem>>)
    %dma_start3A_24 = arith.constant 0 : i32
    %dma_start3A_25 = arith.constant 0 : i32
    %dma_start3A_26 = tpu.memref_slice %arg3[%dma_start3A_24, %dma_start3A_25] : memref<1000000x32xf32, #tpu.memory_space<hbm>> -> memref<1000000x32xf32, #tpu.memory_space<hbm>>
    tpu.enqueue_indirect_dma source(%dma_start3A_26 : memref<1000000x32xf32, #tpu.memory_space<hbm>>) target(%arg10 : memref<1024x32xf32, #tpu.memory_space<vmem>>) offsets(%arg6 : memref<1024xi32, #tpu.memory_space<vmem>>) semaphore(%arg16 : memref<!tpu.dma_semaphore, #tpu.memory_space<semaphore_mem>>)
    %scan3A = arith.constant 0 : i32
    %scan3A_27 = arith.constant 0 : i32
    %scan3A_28 = arith.constant 24 : i32
    %scan3A_29 = arith.addi %scan3A_27, %scan3A_28 : i32
    %scan3A_30 = arith.constant 1 : i32
    scf.for %scan3A_122 = %scan3A_27 to %scan3A_29 step %scan3A_30  : i32 {
      %mul3A_123 = arith.constant 4 : i32
      %mul3A_124 = arith.muli %mul3A_123, %scan3A_122 : i32
      %add3A_125 = arith.constant 0 : i32
      %add3A_126 = arith.addi %mul3A_124, %add3A_125 : i32
      %add3A_127 = arith.constant 3 : i32
      %add3A_128 = arith.addi %add3A_126, %add3A_127 : i32
      %mul3A_129 = arith.constant 1024 : i32
      %mul3A_130 = arith.muli %add3A_128, %mul3A_129 : i32
      %add3A_131 = arith.addi %mul3A_2, %mul3A_130 : i32
      %dma_start3A_132 = tpu.memref_slice %arg2[%add3A_131] : memref<3276800xi32, #tpu.memory_space<hbm>> -> memref<1024xi32, #tpu.memory_space<hbm>>
      %dma_start3A_133 = tpu.memref_slice %arg2[%add3A_131] : memref<3276800xi32, #tpu.memory_space<hbm>> -> memref<1024xi32, #tpu.memory_space<hbm>>
      tpu.enqueue_dma source(%dma_start3A_133 : memref<1024xi32, #tpu.memory_space<hbm>>) target(%arg8 : memref<1024xi32, #tpu.memory_space<vmem>>) target_semaphore(%arg14 : memref<!tpu.dma_semaphore, #tpu.memory_space<semaphore_mem>>)
      %dma_wait3A_134 = arith.constant 0 : i32
      %dma_wait3A_135 = arith.constant 0 : i32
      %dma_wait3A_136 = tpu.memref_slice %arg3[%dma_wait3A_134, %dma_wait3A_135] : memref<1000000x32xf32, #tpu.memory_space<hbm>> -> memref<1024x32xf32, #tpu.memory_space<hbm>>
      %dma_wait3A_137 = arith.constant 0 : i32
      %dma_wait3A_138 = arith.constant 0 : i32
      %dma_wait3A_139 = tpu.memref_slice %arg3[%dma_wait3A_137, %dma_wait3A_138] : memref<1000000x32xf32, #tpu.memory_space<hbm>> -> memref<1024x32xf32, #tpu.memory_space<hbm>>
      tpu.wait_dma2 semaphore(%arg15 : memref<!tpu.dma_semaphore, #tpu.memory_space<semaphore_mem>>) src(%dma_wait3A_139 : memref<1024x32xf32, #tpu.memory_space<hbm>>) dst(%arg9 : memref<1024x32xf32, #tpu.memory_space<vmem>>)
      %mul3A_140 = arith.constant 1024 : i32
      %mul3A_141 = arith.muli %add3A_126, %mul3A_140 : i32
      %add3A_142 = arith.addi %mul3A_2, %mul3A_141 : i32
      %dma_start3A_143 = arith.constant 0 : i32
      %dma_start3A_144 = tpu.memref_slice %arg4[%add3A_142, %dma_start3A_143] : memref<3276800x32xf32, #tpu.memory_space<hbm>> -> memref<1024x32xf32, #tpu.memory_space<hbm>>
      %dma_start3A_145 = arith.constant 0 : i32
      %dma_start3A_146 = tpu.memref_slice %arg4[%add3A_142, %dma_start3A_145] : memref<3276800x32xf32, #tpu.memory_space<hbm>> -> memref<1024x32xf32, #tpu.memory_space<hbm>>
      tpu.enqueue_dma source(%arg9 : memref<1024x32xf32, #tpu.memory_space<vmem>>) target(%dma_start3A_146 : memref<1024x32xf32, #tpu.memory_space<hbm>>) target_semaphore(%arg17 : memref<!tpu.dma_semaphore, #tpu.memory_space<semaphore_mem>>)
      %dma_wait3A_147 = arith.constant 0 : i32
      %dma_wait3A_148 = arith.constant 0 : i32
      %dma_wait3A_149 = tpu.memref_slice %arg4[%dma_wait3A_147, %dma_wait3A_148] : memref<3276800x32xf32, #tpu.memory_space<hbm>> -> memref<1024x32xf32, #tpu.memory_space<hbm>>
      %dma_wait3A_150 = arith.constant 0 : i32
      %dma_wait3A_151 = arith.constant 0 : i32
      %dma_wait3A_152 = tpu.memref_slice %arg4[%dma_wait3A_150, %dma_wait3A_151] : memref<3276800x32xf32, #tpu.memory_space<hbm>> -> memref<1024x32xf32, #tpu.memory_space<hbm>>
      tpu.wait_dma2 semaphore(%arg17 : memref<!tpu.dma_semaphore, #tpu.memory_space<semaphore_mem>>) src(%arg9 : memref<1024x32xf32, #tpu.memory_space<vmem>>) dst(%dma_wait3A_152 : memref<1024x32xf32, #tpu.memory_space<hbm>>)
      %dma_wait3A_153 = arith.constant 0 : i32
      %dma_wait3A_154 = tpu.memref_slice %arg2[%dma_wait3A_153] : memref<3276800xi32, #tpu.memory_space<hbm>> -> memref<1024xi32, #tpu.memory_space<hbm>>
      %dma_wait3A_155 = arith.constant 0 : i32
      %dma_wait3A_156 = tpu.memref_slice %arg2[%dma_wait3A_155] : memref<3276800xi32, #tpu.memory_space<hbm>> -> memref<1024xi32, #tpu.memory_space<hbm>>
      tpu.wait_dma2 semaphore(%arg13 : memref<!tpu.dma_semaphore, #tpu.memory_space<semaphore_mem>>) src(%dma_wait3A_156 : memref<1024xi32, #tpu.memory_space<hbm>>) dst(%arg7 : memref<1024xi32, #tpu.memory_space<vmem>>)
      %dma_start3A_157 = arith.constant 0 : i32
      %dma_start3A_158 = arith.constant 0 : i32
      %dma_start3A_159 = tpu.memref_slice %arg3[%dma_start3A_157, %dma_start3A_158] : memref<1000000x32xf32, #tpu.memory_space<hbm>> -> memref<1000000x32xf32, #tpu.memory_space<hbm>>
      tpu.enqueue_indirect_dma source(%dma_start3A_159 : memref<1000000x32xf32, #tpu.memory_space<hbm>>) target(%arg9 : memref<1024x32xf32, #tpu.memory_space<vmem>>) offsets(%arg7 : memref<1024xi32, #tpu.memory_space<vmem>>) semaphore(%arg15 : memref<!tpu.dma_semaphore, #tpu.memory_space<semaphore_mem>>)
      %mul3A_160 = arith.constant 4 : i32
      %mul3A_161 = arith.muli %mul3A_160, %scan3A_122 : i32
      %add3A_162 = arith.constant 1 : i32
      %add3A_163 = arith.addi %mul3A_161, %add3A_162 : i32
      %add3A_164 = arith.constant 3 : i32
      %add3A_165 = arith.addi %add3A_163, %add3A_164 : i32
      %mul3A_166 = arith.constant 1024 : i32
      %mul3A_167 = arith.muli %add3A_165, %mul3A_166 : i32
      %add3A_168 = arith.addi %mul3A_2, %mul3A_167 : i32
      %dma_start3A_169 = tpu.memref_slice %arg2[%add3A_168] : memref<3276800xi32, #tpu.memory_space<hbm>> -> memref<1024xi32, #tpu.memory_space<hbm>>
      %dma_start3A_170 = tpu.memref_slice %arg2[%add3A_168] : memref<3276800xi32, #tpu.memory_space<hbm>> -> memref<1024xi32, #tpu.memory_space<hbm>>
      tpu.enqueue_dma source(%dma_start3A_170 : memref<1024xi32, #tpu.memory_space<hbm>>) target(%arg5 : memref<1024xi32, #tpu.memory_space<vmem>>) target_semaphore(%arg11 : memref<!tpu.dma_semaphore, #tpu.memory_space<semaphore_mem>>)
      %dma_wait3A_171 = arith.constant 0 : i32
      %dma_wait3A_172 = arith.constant 0 : i32
      %dma_wait3A_173 = tpu.memref_slice %arg3[%dma_wait3A_171, %dma_wait3A_172] : memref<1000000x32xf32, #tpu.memory_space<hbm>> -> memref<1024x32xf32, #tpu.memory_space<hbm>>
      %dma_wait3A_174 = arith.constant 0 : i32
      %dma_wait3A_175 = arith.constant 0 : i32
      %dma_wait3A_176 = tpu.memref_slice %arg3[%dma_wait3A_174, %dma_wait3A_175] : memref<1000000x32xf32, #tpu.memory_space<hbm>> -> memref<1024x32xf32, #tpu.memory_space<hbm>>
      tpu.wait_dma2 semaphore(%arg16 : memref<!tpu.dma_semaphore, #tpu.memory_space<semaphore_mem>>) src(%dma_wait3A_176 : memref<1024x32xf32, #tpu.memory_space<hbm>>) dst(%arg10 : memref<1024x32xf32, #tpu.memory_space<vmem>>)
      %mul3A_177 = arith.constant 1024 : i32
      %mul3A_178 = arith.muli %add3A_163, %mul3A_177 : i32
      %add3A_179 = arith.addi %mul3A_2, %mul3A_178 : i32
      %dma_start3A_180 = arith.constant 0 : i32
      %dma_start3A_181 = tpu.memref_slice %arg4[%add3A_179, %dma_start3A_180] : memref<3276800x32xf32, #tpu.memory_space<hbm>> -> memref<1024x32xf32, #tpu.memory_space<hbm>>
      %dma_start3A_182 = arith.constant 0 : i32
      %dma_start3A_183 = tpu.memref_slice %arg4[%add3A_179, %dma_start3A_182] : memref<3276800x32xf32, #tpu.memory_space<hbm>> -> memref<1024x32xf32, #tpu.memory_space<hbm>>
      tpu.enqueue_dma source(%arg10 : memref<1024x32xf32, #tpu.memory_space<vmem>>) target(%dma_start3A_183 : memref<1024x32xf32, #tpu.memory_space<hbm>>) target_semaphore(%arg18 : memref<!tpu.dma_semaphore, #tpu.memory_space<semaphore_mem>>)
      %dma_wait3A_184 = arith.constant 0 : i32
      %dma_wait3A_185 = arith.constant 0 : i32
      %dma_wait3A_186 = tpu.memref_slice %arg4[%dma_wait3A_184, %dma_wait3A_185] : memref<3276800x32xf32, #tpu.memory_space<hbm>> -> memref<1024x32xf32, #tpu.memory_space<hbm>>
      %dma_wait3A_187 = arith.constant 0 : i32
      %dma_wait3A_188 = arith.constant 0 : i32
      %dma_wait3A_189 = tpu.memref_slice %arg4[%dma_wait3A_187, %dma_wait3A_188] : memref<3276800x32xf32, #tpu.memory_space<hbm>> -> memref<1024x32xf32, #tpu.memory_space<hbm>>
      tpu.wait_dma2 semaphore(%arg18 : memref<!tpu.dma_semaphore, #tpu.memory_space<semaphore_mem>>) src(%arg10 : memref<1024x32xf32, #tpu.memory_space<vmem>>) dst(%dma_wait3A_189 : memref<1024x32xf32, #tpu.memory_space<hbm>>)
      %dma_wait3A_190 = arith.constant 0 : i32
      %dma_wait3A_191 = tpu.memref_slice %arg2[%dma_wait3A_190] : memref<3276800xi32, #tpu.memory_space<hbm>> -> memref<1024xi32, #tpu.memory_space<hbm>>
      %dma_wait3A_192 = arith.constant 0 : i32
      %dma_wait3A_193 = tpu.memref_slice %arg2[%dma_wait3A_192] : memref<3276800xi32, #tpu.memory_space<hbm>> -> memref<1024xi32, #tpu.memory_space<hbm>>
      tpu.wait_dma2 semaphore(%arg14 : memref<!tpu.dma_semaphore, #tpu.memory_space<semaphore_mem>>) src(%dma_wait3A_193 : memref<1024xi32, #tpu.memory_space<hbm>>) dst(%arg8 : memref<1024xi32, #tpu.memory_space<vmem>>)
      %dma_start3A_194 = arith.constant 0 : i32
      %dma_start3A_195 = arith.constant 0 : i32
      %dma_start3A_196 = tpu.memref_slice %arg3[%dma_start3A_194, %dma_start3A_195] : memref<1000000x32xf32, #tpu.memory_space<hbm>> -> memref<1000000x32xf32, #tpu.memory_space<hbm>>
      tpu.enqueue_indirect_dma source(%dma_start3A_196 : memref<1000000x32xf32, #tpu.memory_space<hbm>>) target(%arg10 : memref<1024x32xf32, #tpu.memory_space<vmem>>) offsets(%arg8 : memref<1024xi32, #tpu.memory_space<vmem>>) semaphore(%arg16 : memref<!tpu.dma_semaphore, #tpu.memory_space<semaphore_mem>>)
      %mul3A_197 = arith.constant 4 : i32
      %mul3A_198 = arith.muli %mul3A_197, %scan3A_122 : i32
      %add3A_199 = arith.constant 2 : i32
      %add3A_200 = arith.addi %mul3A_198, %add3A_199 : i32
      %add3A_201 = arith.constant 3 : i32
      %add3A_202 = arith.addi %add3A_200, %add3A_201 : i32
      %mul3A_203 = arith.constant 1024 : i32
      %mul3A_204 = arith.muli %add3A_202, %mul3A_203 : i32
      %add3A_205 = arith.addi %mul3A_2, %mul3A_204 : i32
      %dma_start3A_206 = tpu.memref_slice %arg2[%add3A_205] : memref<3276800xi32, #tpu.memory_space<hbm>> -> memref<1024xi32, #tpu.memory_space<hbm>>
      %dma_start3A_207 = tpu.memref_slice %arg2[%add3A_205] : memref<3276800xi32, #tpu.memory_space<hbm>> -> memref<1024xi32, #tpu.memory_space<hbm>>
      tpu.enqueue_dma source(%dma_start3A_207 : memref<1024xi32, #tpu.memory_space<hbm>>) target(%arg6 : memref<1024xi32, #tpu.memory_space<vmem>>) target_semaphore(%arg12 : memref<!tpu.dma_semaphore, #tpu.memory_space<semaphore_mem>>)
      %dma_wait3A_208 = arith.constant 0 : i32
      %dma_wait3A_209 = arith.constant 0 : i32
      %dma_wait3A_210 = tpu.memref_slice %arg3[%dma_wait3A_208, %dma_wait3A_209] : memref<1000000x32xf32, #tpu.memory_space<hbm>> -> memref<1024x32xf32, #tpu.memory_space<hbm>>
      %dma_wait3A_211 = arith.constant 0 : i32
      %dma_wait3A_212 = arith.constant 0 : i32
      %dma_wait3A_213 = tpu.memref_slice %arg3[%dma_wait3A_211, %dma_wait3A_212] : memref<1000000x32xf32, #tpu.memory_space<hbm>> -> memref<1024x32xf32, #tpu.memory_space<hbm>>
      tpu.wait_dma2 semaphore(%arg15 : memref<!tpu.dma_semaphore, #tpu.memory_space<semaphore_mem>>) src(%dma_wait3A_213 : memref<1024x32xf32, #tpu.memory_space<hbm>>) dst(%arg9 : memref<1024x32xf32, #tpu.memory_space<vmem>>)
      %mul3A_214 = arith.constant 1024 : i32
      %mul3A_215 = arith.muli %add3A_200, %mul3A_214 : i32
      %add3A_216 = arith.addi %mul3A_2, %mul3A_215 : i32
      %dma_start3A_217 = arith.constant 0 : i32
      %dma_start3A_218 = tpu.memref_slice %arg4[%add3A_216, %dma_start3A_217] : memref<3276800x32xf32, #tpu.memory_space<hbm>> -> memref<1024x32xf32, #tpu.memory_space<hbm>>
      %dma_start3A_219 = arith.constant 0 : i32
      %dma_start3A_220 = tpu.memref_slice %arg4[%add3A_216, %dma_start3A_219] : memref<3276800x32xf32, #tpu.memory_space<hbm>> -> memref<1024x32xf32, #tpu.memory_space<hbm>>
      tpu.enqueue_dma source(%arg9 : memref<1024x32xf32, #tpu.memory_space<vmem>>) target(%dma_start3A_220 : memref<1024x32xf32, #tpu.memory_space<hbm>>) target_semaphore(%arg17 : memref<!tpu.dma_semaphore, #tpu.memory_space<semaphore_mem>>)
      %dma_wait3A_221 = arith.constant 0 : i32
      %dma_wait3A_222 = arith.constant 0 : i32
      %dma_wait3A_223 = tpu.memref_slice %arg4[%dma_wait3A_221, %dma_wait3A_222] : memref<3276800x32xf32, #tpu.memory_space<hbm>> -> memref<1024x32xf32, #tpu.memory_space<hbm>>
      %dma_wait3A_224 = arith.constant 0 : i32
      %dma_wait3A_225 = arith.constant 0 : i32
      %dma_wait3A_226 = tpu.memref_slice %arg4[%dma_wait3A_224, %dma_wait3A_225] : memref<3276800x32xf32, #tpu.memory_space<hbm>> -> memref<1024x32xf32, #tpu.memory_space<hbm>>
      tpu.wait_dma2 semaphore(%arg17 : memref<!tpu.dma_semaphore, #tpu.memory_space<semaphore_mem>>) src(%arg9 : memref<1024x32xf32, #tpu.memory_space<vmem>>) dst(%dma_wait3A_226 : memref<1024x32xf32, #tpu.memory_space<hbm>>)
      %dma_wait3A_227 = arith.constant 0 : i32
      %dma_wait3A_228 = tpu.memref_slice %arg2[%dma_wait3A_227] : memref<3276800xi32, #tpu.memory_space<hbm>> -> memref<1024xi32, #tpu.memory_space<hbm>>
      %dma_wait3A_229 = arith.constant 0 : i32
      %dma_wait3A_230 = tpu.memref_slice %arg2[%dma_wait3A_229] : memref<3276800xi32, #tpu.memory_space<hbm>> -> memref<1024xi32, #tpu.memory_space<hbm>>
      tpu.wait_dma2 semaphore(%arg11 : memref<!tpu.dma_semaphore, #tpu.memory_space<semaphore_mem>>) src(%dma_wait3A_230 : memref<1024xi32, #tpu.memory_space<hbm>>) dst(%arg5 : memref<1024xi32, #tpu.memory_space<vmem>>)
      %dma_start3A_231 = arith.constant 0 : i32
      %dma_start3A_232 = arith.constant 0 : i32
      %dma_start3A_233 = tpu.memref_slice %arg3[%dma_start3A_231, %dma_start3A_232] : memref<1000000x32xf32, #tpu.memory_space<hbm>> -> memref<1000000x32xf32, #tpu.memory_space<hbm>>
      tpu.enqueue_indirect_dma source(%dma_start3A_233 : memref<1000000x32xf32, #tpu.memory_space<hbm>>) target(%arg9 : memref<1024x32xf32, #tpu.memory_space<vmem>>) offsets(%arg5 : memref<1024xi32, #tpu.memory_space<vmem>>) semaphore(%arg15 : memref<!tpu.dma_semaphore, #tpu.memory_space<semaphore_mem>>)
      %mul3A_234 = arith.constant 4 : i32
      %mul3A_235 = arith.muli %mul3A_234, %scan3A_122 : i32
      %add3A_236 = arith.constant 3 : i32
      %add3A_237 = arith.addi %mul3A_235, %add3A_236 : i32
      %add3A_238 = arith.constant 3 : i32
      %add3A_239 = arith.addi %add3A_237, %add3A_238 : i32
      %mul3A_240 = arith.constant 1024 : i32
      %mul3A_241 = arith.muli %add3A_239, %mul3A_240 : i32
      %add3A_242 = arith.addi %mul3A_2, %mul3A_241 : i32
      %dma_start3A_243 = tpu.memref_slice %arg2[%add3A_242] : memref<3276800xi32, #tpu.memory_space<hbm>> -> memref<1024xi32, #tpu.memory_space<hbm>>
      %dma_start3A_244 = tpu.memref_slice %arg2[%add3A_242] : memref<3276800xi32, #tpu.memory_space<hbm>> -> memref<1024xi32, #tpu.memory_space<hbm>>
      tpu.enqueue_dma source(%dma_start3A_244 : memref<1024xi32, #tpu.memory_space<hbm>>) target(%arg7 : memref<1024xi32, #tpu.memory_space<vmem>>) target_semaphore(%arg13 : memref<!tpu.dma_semaphore, #tpu.memory_space<semaphore_mem>>)
      %dma_wait3A_245 = arith.constant 0 : i32
      %dma_wait3A_246 = arith.constant 0 : i32
      %dma_wait3A_247 = tpu.memref_slice %arg3[%dma_wait3A_245, %dma_wait3A_246] : memref<1000000x32xf32, #tpu.memory_space<hbm>> -> memref<1024x32xf32, #tpu.memory_space<hbm>>
      %dma_wait3A_248 = arith.constant 0 : i32
      %dma_wait3A_249 = arith.constant 0 : i32
      %dma_wait3A_250 = tpu.memref_slice %arg3[%dma_wait3A_248, %dma_wait3A_249] : memref<1000000x32xf32, #tpu.memory_space<hbm>> -> memref<1024x32xf32, #tpu.memory_space<hbm>>
      tpu.wait_dma2 semaphore(%arg16 : memref<!tpu.dma_semaphore, #tpu.memory_space<semaphore_mem>>) src(%dma_wait3A_250 : memref<1024x32xf32, #tpu.memory_space<hbm>>) dst(%arg10 : memref<1024x32xf32, #tpu.memory_space<vmem>>)
      %mul3A_251 = arith.constant 1024 : i32
      %mul3A_252 = arith.muli %add3A_237, %mul3A_251 : i32
      %add3A_253 = arith.addi %mul3A_2, %mul3A_252 : i32
      %dma_start3A_254 = arith.constant 0 : i32
      %dma_start3A_255 = tpu.memref_slice %arg4[%add3A_253, %dma_start3A_254] : memref<3276800x32xf32, #tpu.memory_space<hbm>> -> memref<1024x32xf32, #tpu.memory_space<hbm>>
      %dma_start3A_256 = arith.constant 0 : i32
      %dma_start3A_257 = tpu.memref_slice %arg4[%add3A_253, %dma_start3A_256] : memref<3276800x32xf32, #tpu.memory_space<hbm>> -> memref<1024x32xf32, #tpu.memory_space<hbm>>
      tpu.enqueue_dma source(%arg10 : memref<1024x32xf32, #tpu.memory_space<vmem>>) target(%dma_start3A_257 : memref<1024x32xf32, #tpu.memory_space<hbm>>) target_semaphore(%arg18 : memref<!tpu.dma_semaphore, #tpu.memory_space<semaphore_mem>>)
      %dma_wait3A_258 = arith.constant 0 : i32
      %dma_wait3A_259 = arith.constant 0 : i32
      %dma_wait3A_260 = tpu.memref_slice %arg4[%dma_wait3A_258, %dma_wait3A_259] : memref<3276800x32xf32, #tpu.memory_space<hbm>> -> memref<1024x32xf32, #tpu.memory_space<hbm>>
      %dma_wait3A_261 = arith.constant 0 : i32
      %dma_wait3A_262 = arith.constant 0 : i32
      %dma_wait3A_263 = tpu.memref_slice %arg4[%dma_wait3A_261, %dma_wait3A_262] : memref<3276800x32xf32, #tpu.memory_space<hbm>> -> memref<1024x32xf32, #tpu.memory_space<hbm>>
      tpu.wait_dma2 semaphore(%arg18 : memref<!tpu.dma_semaphore, #tpu.memory_space<semaphore_mem>>) src(%arg10 : memref<1024x32xf32, #tpu.memory_space<vmem>>) dst(%dma_wait3A_263 : memref<1024x32xf32, #tpu.memory_space<hbm>>)
      %dma_wait3A_264 = arith.constant 0 : i32
      %dma_wait3A_265 = tpu.memref_slice %arg2[%dma_wait3A_264] : memref<3276800xi32, #tpu.memory_space<hbm>> -> memref<1024xi32, #tpu.memory_space<hbm>>
      %dma_wait3A_266 = arith.constant 0 : i32
      %dma_wait3A_267 = tpu.memref_slice %arg2[%dma_wait3A_266] : memref<3276800xi32, #tpu.memory_space<hbm>> -> memref<1024xi32, #tpu.memory_space<hbm>>
      tpu.wait_dma2 semaphore(%arg12 : memref<!tpu.dma_semaphore, #tpu.memory_space<semaphore_mem>>) src(%dma_wait3A_267 : memref<1024xi32, #tpu.memory_space<hbm>>) dst(%arg6 : memref<1024xi32, #tpu.memory_space<vmem>>)
      %dma_start3A_268 = arith.constant 0 : i32
      %dma_start3A_269 = arith.constant 0 : i32
      %dma_start3A_270 = tpu.memref_slice %arg3[%dma_start3A_268, %dma_start3A_269] : memref<1000000x32xf32, #tpu.memory_space<hbm>> -> memref<1000000x32xf32, #tpu.memory_space<hbm>>
      tpu.enqueue_indirect_dma source(%dma_start3A_270 : memref<1000000x32xf32, #tpu.memory_space<hbm>>) target(%arg10 : memref<1024x32xf32, #tpu.memory_space<vmem>>) offsets(%arg6 : memref<1024xi32, #tpu.memory_space<vmem>>) semaphore(%arg16 : memref<!tpu.dma_semaphore, #tpu.memory_space<semaphore_mem>>)
    }
    %scan3A_31 = arith.constant 24 : i32
    %add3A_32 = arith.constant 101376 : i32
    %add3A_33 = arith.addi %mul3A_2, %add3A_32 : i32
    %dma_start3A_34 = tpu.memref_slice %arg2[%add3A_33] : memref<3276800xi32, #tpu.memory_space<hbm>> -> memref<1024xi32, #tpu.memory_space<hbm>>
    %dma_start3A_35 = tpu.memref_slice %arg2[%add3A_33] : memref<3276800xi32, #tpu.memory_space<hbm>> -> memref<1024xi32, #tpu.memory_space<hbm>>
    tpu.enqueue_dma source(%dma_start3A_35 : memref<1024xi32, #tpu.memory_space<hbm>>) target(%arg8 : memref<1024xi32, #tpu.memory_space<vmem>>) target_semaphore(%arg14 : memref<!tpu.dma_semaphore, #tpu.memory_space<semaphore_mem>>)
    %dma_wait3A_36 = arith.constant 0 : i32
    %dma_wait3A_37 = arith.constant 0 : i32
    %dma_wait3A_38 = tpu.memref_slice %arg3[%dma_wait3A_36, %dma_wait3A_37] : memref<1000000x32xf32, #tpu.memory_space<hbm>> -> memref<1024x32xf32, #tpu.memory_space<hbm>>
    %dma_wait3A_39 = arith.constant 0 : i32
    %dma_wait3A_40 = arith.constant 0 : i32
    %dma_wait3A_41 = tpu.memref_slice %arg3[%dma_wait3A_39, %dma_wait3A_40] : memref<1000000x32xf32, #tpu.memory_space<hbm>> -> memref<1024x32xf32, #tpu.memory_space<hbm>>
    tpu.wait_dma2 semaphore(%arg15 : memref<!tpu.dma_semaphore, #tpu.memory_space<semaphore_mem>>) src(%dma_wait3A_41 : memref<1024x32xf32, #tpu.memory_space<hbm>>) dst(%arg9 : memref<1024x32xf32, #tpu.memory_space<vmem>>)
    %add3A_42 = arith.constant 98304 : i32
    %add3A_43 = arith.addi %mul3A_2, %add3A_42 : i32
    %dma_start3A_44 = arith.constant 0 : i32
    %dma_start3A_45 = tpu.memref_slice %arg4[%add3A_43, %dma_start3A_44] : memref<3276800x32xf32, #tpu.memory_space<hbm>> -> memref<1024x32xf32, #tpu.memory_space<hbm>>
    %dma_start3A_46 = arith.constant 0 : i32
    %dma_start3A_47 = tpu.memref_slice %arg4[%add3A_43, %dma_start3A_46] : memref<3276800x32xf32, #tpu.memory_space<hbm>> -> memref<1024x32xf32, #tpu.memory_space<hbm>>
    tpu.enqueue_dma source(%arg9 : memref<1024x32xf32, #tpu.memory_space<vmem>>) target(%dma_start3A_47 : memref<1024x32xf32, #tpu.memory_space<hbm>>) target_semaphore(%arg17 : memref<!tpu.dma_semaphore, #tpu.memory_space<semaphore_mem>>)
    %dma_wait3A_48 = arith.constant 0 : i32
    %dma_wait3A_49 = arith.constant 0 : i32
    %dma_wait3A_50 = tpu.memref_slice %arg4[%dma_wait3A_48, %dma_wait3A_49] : memref<3276800x32xf32, #tpu.memory_space<hbm>> -> memref<1024x32xf32, #tpu.memory_space<hbm>>
    %dma_wait3A_51 = arith.constant 0 : i32
    %dma_wait3A_52 = arith.constant 0 : i32
    %dma_wait3A_53 = tpu.memref_slice %arg4[%dma_wait3A_51, %dma_wait3A_52] : memref<3276800x32xf32, #tpu.memory_space<hbm>> -> memref<1024x32xf32, #tpu.memory_space<hbm>>
    tpu.wait_dma2 semaphore(%arg17 : memref<!tpu.dma_semaphore, #tpu.memory_space<semaphore_mem>>) src(%arg9 : memref<1024x32xf32, #tpu.memory_space<vmem>>) dst(%dma_wait3A_53 : memref<1024x32xf32, #tpu.memory_space<hbm>>)
    %dma_wait3A_54 = arith.constant 0 : i32
    %dma_wait3A_55 = tpu.memref_slice %arg2[%dma_wait3A_54] : memref<3276800xi32, #tpu.memory_space<hbm>> -> memref<1024xi32, #tpu.memory_space<hbm>>
    %dma_wait3A_56 = arith.constant 0 : i32
    %dma_wait3A_57 = tpu.memref_slice %arg2[%dma_wait3A_56] : memref<3276800xi32, #tpu.memory_space<hbm>> -> memref<1024xi32, #tpu.memory_space<hbm>>
    tpu.wait_dma2 semaphore(%arg13 : memref<!tpu.dma_semaphore, #tpu.memory_space<semaphore_mem>>) src(%dma_wait3A_57 : memref<1024xi32, #tpu.memory_space<hbm>>) dst(%arg7 : memref<1024xi32, #tpu.memory_space<vmem>>)
    %dma_start3A_58 = arith.constant 0 : i32
    %dma_start3A_59 = arith.constant 0 : i32
    %dma_start3A_60 = tpu.memref_slice %arg3[%dma_start3A_58, %dma_start3A_59] : memref<1000000x32xf32, #tpu.memory_space<hbm>> -> memref<1000000x32xf32, #tpu.memory_space<hbm>>
    tpu.enqueue_indirect_dma source(%dma_start3A_60 : memref<1000000x32xf32, #tpu.memory_space<hbm>>) target(%arg9 : memref<1024x32xf32, #tpu.memory_space<vmem>>) offsets(%arg7 : memref<1024xi32, #tpu.memory_space<vmem>>) semaphore(%arg15 : memref<!tpu.dma_semaphore, #tpu.memory_space<semaphore_mem>>)
    %dma_wait3A_61 = arith.constant 0 : i32
    %dma_wait3A_62 = arith.constant 0 : i32
    %dma_wait3A_63 = tpu.memref_slice %arg3[%dma_wait3A_61, %dma_wait3A_62] : memref<1000000x32xf32, #tpu.memory_space<hbm>> -> memref<1024x32xf32, #tpu.memory_space<hbm>>
    %dma_wait3A_64 = arith.constant 0 : i32
    %dma_wait3A_65 = arith.constant 0 : i32
    %dma_wait3A_66 = tpu.memref_slice %arg3[%dma_wait3A_64, %dma_wait3A_65] : memref<1000000x32xf32, #tpu.memory_space<hbm>> -> memref<1024x32xf32, #tpu.memory_space<hbm>>
    tpu.wait_dma2 semaphore(%arg16 : memref<!tpu.dma_semaphore, #tpu.memory_space<semaphore_mem>>) src(%dma_wait3A_66 : memref<1024x32xf32, #tpu.memory_space<hbm>>) dst(%arg10 : memref<1024x32xf32, #tpu.memory_space<vmem>>)
    %add3A_67 = arith.constant 99328 : i32
    %add3A_68 = arith.addi %mul3A_2, %add3A_67 : i32
    %dma_start3A_69 = arith.constant 0 : i32
    %dma_start3A_70 = tpu.memref_slice %arg4[%add3A_68, %dma_start3A_69] : memref<3276800x32xf32, #tpu.memory_space<hbm>> -> memref<1024x32xf32, #tpu.memory_space<hbm>>
    %dma_start3A_71 = arith.constant 0 : i32
    %dma_start3A_72 = tpu.memref_slice %arg4[%add3A_68, %dma_start3A_71] : memref<3276800x32xf32, #tpu.memory_space<hbm>> -> memref<1024x32xf32, #tpu.memory_space<hbm>>
    tpu.enqueue_dma source(%arg10 : memref<1024x32xf32, #tpu.memory_space<vmem>>) target(%dma_start3A_72 : memref<1024x32xf32, #tpu.memory_space<hbm>>) target_semaphore(%arg18 : memref<!tpu.dma_semaphore, #tpu.memory_space<semaphore_mem>>)
    %dma_wait3A_73 = arith.constant 0 : i32
    %dma_wait3A_74 = arith.constant 0 : i32
    %dma_wait3A_75 = tpu.memref_slice %arg4[%dma_wait3A_73, %dma_wait3A_74] : memref<3276800x32xf32, #tpu.memory_space<hbm>> -> memref<1024x32xf32, #tpu.memory_space<hbm>>
    %dma_wait3A_76 = arith.constant 0 : i32
    %dma_wait3A_77 = arith.constant 0 : i32
    %dma_wait3A_78 = tpu.memref_slice %arg4[%dma_wait3A_76, %dma_wait3A_77] : memref<3276800x32xf32, #tpu.memory_space<hbm>> -> memref<1024x32xf32, #tpu.memory_space<hbm>>
    tpu.wait_dma2 semaphore(%arg18 : memref<!tpu.dma_semaphore, #tpu.memory_space<semaphore_mem>>) src(%arg10 : memref<1024x32xf32, #tpu.memory_space<vmem>>) dst(%dma_wait3A_78 : memref<1024x32xf32, #tpu.memory_space<hbm>>)
    %dma_wait3A_79 = arith.constant 0 : i32
    %dma_wait3A_80 = tpu.memref_slice %arg2[%dma_wait3A_79] : memref<3276800xi32, #tpu.memory_space<hbm>> -> memref<1024xi32, #tpu.memory_space<hbm>>
    %dma_wait3A_81 = arith.constant 0 : i32
    %dma_wait3A_82 = tpu.memref_slice %arg2[%dma_wait3A_81] : memref<3276800xi32, #tpu.memory_space<hbm>> -> memref<1024xi32, #tpu.memory_space<hbm>>
    tpu.wait_dma2 semaphore(%arg14 : memref<!tpu.dma_semaphore, #tpu.memory_space<semaphore_mem>>) src(%dma_wait3A_82 : memref<1024xi32, #tpu.memory_space<hbm>>) dst(%arg8 : memref<1024xi32, #tpu.memory_space<vmem>>)
    %dma_start3A_83 = arith.constant 0 : i32
    %dma_start3A_84 = arith.constant 0 : i32
    %dma_start3A_85 = tpu.memref_slice %arg3[%dma_start3A_83, %dma_start3A_84] : memref<1000000x32xf32, #tpu.memory_space<hbm>> -> memref<1000000x32xf32, #tpu.memory_space<hbm>>
    tpu.enqueue_indirect_dma source(%dma_start3A_85 : memref<1000000x32xf32, #tpu.memory_space<hbm>>) target(%arg10 : memref<1024x32xf32, #tpu.memory_space<vmem>>) offsets(%arg8 : memref<1024xi32, #tpu.memory_space<vmem>>) semaphore(%arg16 : memref<!tpu.dma_semaphore, #tpu.memory_space<semaphore_mem>>)
    %dma_wait3A_86 = arith.constant 0 : i32
    %dma_wait3A_87 = arith.constant 0 : i32
    %dma_wait3A_88 = tpu.memref_slice %arg3[%dma_wait3A_86, %dma_wait3A_87] : memref<1000000x32xf32, #tpu.memory_space<hbm>> -> memref<1024x32xf32, #tpu.memory_space<hbm>>
    %dma_wait3A_89 = arith.constant 0 : i32
    %dma_wait3A_90 = arith.constant 0 : i32
    %dma_wait3A_91 = tpu.memref_slice %arg3[%dma_wait3A_89, %dma_wait3A_90] : memref<1000000x32xf32, #tpu.memory_space<hbm>> -> memref<1024x32xf32, #tpu.memory_space<hbm>>
    tpu.wait_dma2 semaphore(%arg15 : memref<!tpu.dma_semaphore, #tpu.memory_space<semaphore_mem>>) src(%dma_wait3A_91 : memref<1024x32xf32, #tpu.memory_space<hbm>>) dst(%arg9 : memref<1024x32xf32, #tpu.memory_space<vmem>>)
    %add3A_92 = arith.constant 100352 : i32
    %add3A_93 = arith.addi %mul3A_2, %add3A_92 : i32
    %dma_start3A_94 = arith.constant 0 : i32
    %dma_start3A_95 = tpu.memref_slice %arg4[%add3A_93, %dma_start3A_94] : memref<3276800x32xf32, #tpu.memory_space<hbm>> -> memref<1024x32xf32, #tpu.memory_space<hbm>>
    %dma_start3A_96 = arith.constant 0 : i32
    %dma_start3A_97 = tpu.memref_slice %arg4[%add3A_93, %dma_start3A_96] : memref<3276800x32xf32, #tpu.memory_space<hbm>> -> memref<1024x32xf32, #tpu.memory_space<hbm>>
    tpu.enqueue_dma source(%arg9 : memref<1024x32xf32, #tpu.memory_space<vmem>>) target(%dma_start3A_97 : memref<1024x32xf32, #tpu.memory_space<hbm>>) target_semaphore(%arg17 : memref<!tpu.dma_semaphore, #tpu.memory_space<semaphore_mem>>)
    %dma_wait3A_98 = arith.constant 0 : i32
    %dma_wait3A_99 = arith.constant 0 : i32
    %dma_wait3A_100 = tpu.memref_slice %arg4[%dma_wait3A_98, %dma_wait3A_99] : memref<3276800x32xf32, #tpu.memory_space<hbm>> -> memref<1024x32xf32, #tpu.memory_space<hbm>>
    %dma_wait3A_101 = arith.constant 0 : i32
    %dma_wait3A_102 = arith.constant 0 : i32
    %dma_wait3A_103 = tpu.memref_slice %arg4[%dma_wait3A_101, %dma_wait3A_102] : memref<3276800x32xf32, #tpu.memory_space<hbm>> -> memref<1024x32xf32, #tpu.memory_space<hbm>>
    tpu.wait_dma2 semaphore(%arg17 : memref<!tpu.dma_semaphore, #tpu.memory_space<semaphore_mem>>) src(%arg9 : memref<1024x32xf32, #tpu.memory_space<vmem>>) dst(%dma_wait3A_103 : memref<1024x32xf32, #tpu.memory_space<hbm>>)
    %dma_wait3A_104 = arith.constant 0 : i32
    %dma_wait3A_105 = arith.constant 0 : i32
    %dma_wait3A_106 = tpu.memref_slice %arg3[%dma_wait3A_104, %dma_wait3A_105] : memref<1000000x32xf32, #tpu.memory_space<hbm>> -> memref<1024x32xf32, #tpu.memory_space<hbm>>
    %dma_wait3A_107 = arith.constant 0 : i32
    %dma_wait3A_108 = arith.constant 0 : i32
    %dma_wait3A_109 = tpu.memref_slice %arg3[%dma_wait3A_107, %dma_wait3A_108] : memref<1000000x32xf32, #tpu.memory_space<hbm>> -> memref<1024x32xf32, #tpu.memory_space<hbm>>
    tpu.wait_dma2 semaphore(%arg16 : memref<!tpu.dma_semaphore, #tpu.memory_space<semaphore_mem>>) src(%dma_wait3A_109 : memref<1024x32xf32, #tpu.memory_space<hbm>>) dst(%arg10 : memref<1024x32xf32, #tpu.memory_space<vmem>>)
    %add3A_110 = arith.constant 101376 : i32
    %add3A_111 = arith.addi %mul3A_2, %add3A_110 : i32
    %dma_start3A_112 = arith.constant 0 : i32
    %dma_start3A_113 = tpu.memref_slice %arg4[%add3A_111, %dma_start3A_112] : memref<3276800x32xf32, #tpu.memory_space<hbm>> -> memref<1024x32xf32, #tpu.memory_space<hbm>>
    %dma_start3A_114 = arith.constant 0 : i32
    %dma_start3A_115 = tpu.memref_slice %arg4[%add3A_111, %dma_start3A_114] : memref<3276800x32xf32, #tpu.memory_space<hbm>> -> memref<1024x32xf32, #tpu.memory_space<hbm>>
    tpu.enqueue_dma source(%arg10 : memref<1024x32xf32, #tpu.memory_space<vmem>>) target(%dma_start3A_115 : memref<1024x32xf32, #tpu.memory_space<hbm>>) target_semaphore(%arg18 : memref<!tpu.dma_semaphore, #tpu.memory_space<semaphore_mem>>)
    %dma_wait3A_116 = arith.constant 0 : i32
    %dma_wait3A_117 = arith.constant 0 : i32
    %dma_wait3A_118 = tpu.memref_slice %arg4[%dma_wait3A_116, %dma_wait3A_117] : memref<3276800x32xf32, #tpu.memory_space<hbm>> -> memref<1024x32xf32, #tpu.memory_space<hbm>>
    %dma_wait3A_119 = arith.constant 0 : i32
    %dma_wait3A_120 = arith.constant 0 : i32
    %dma_wait3A_121 = tpu.memref_slice %arg4[%dma_wait3A_119, %dma_wait3A_120] : memref<3276800x32xf32, #tpu.memory_space<hbm>> -> memref<1024x32xf32, #tpu.memory_space<hbm>>
    tpu.wait_dma2 semaphore(%arg18 : memref<!tpu.dma_semaphore, #tpu.memory_space<semaphore_mem>>) src(%arg10 : memref<1024x32xf32, #tpu.memory_space<vmem>>) dst(%dma_wait3A_121 : memref<1024x32xf32, #tpu.memory_space<hbm>>)
    return
  }
}

</mosaic_0001>

<sc_bundles>
// kernel: kernel.3.cloned.1.call-start
scs
__scs_entry_jumppad:
0x0: {  	(pc) =	sbr.rel $0x88, $3  }
0x1: {  	(tag) =	ssettag $0x0;
	lr =	simm.s32 $0x1  }
0x2: {  	[smem:$0x3F9F] =	sst lr;
	_ =	strace $0xD0000000  }
0x3: {  	_ = 	snop  }
0x4: {  	_ = 	snop  }
0x5: {  	_ = 	snop  }
0x6: {  	_ = 	snop  }
0x7: {  	_ = 	snop  }
__scs_overlays_trampoline_lowered:
0x8: {  	[smem:$0x3FAE] =	sst s0  }
0x9: {  	[smem:$0x3FAF] =	sst s1  }
0xa: {  	[smem:$0x3FB0] =	sst s2  }
0xb: {  	[smem:$0x3FB1] =	sst s3  }
0xc: {  	[smem:$0x3FB2] =	sst s4  }
0xd: {  	[smem:$0x3FB3] =	sst s5  }
0xe: {  	[smem:$0x3FB4] =	sst s6  }
0xf: {  	[smem:$0x3FB5] =	sst s7  }
0x10: {  	[smem:$0x3FB6] =	sst s8  }
0x11: {  	[smem:$0x3FB7] =	sst s9;
	s0 =	simm.s32 @!p0 $0x0  }
0x12: {  	s1 =	sld [smem:$0x3F9D];
	s0 =	simm.s32 @p0 $0x1  }
0x13: {  	[smem:$0x3FB8] =	sst s0;
	s0 =	simm.s32 @!p1 $0x0  }
0x14: {  	s2 =	sld [smem:$0x3F9C];
	s0 =	simm.s32 @p1 $0x1  }
0x15: {  	[smem:$0x3FB9] =	sst s0;
	s0 =	simm.s32 @!p2 $0x0  }
0x16: {  	s3 =	sld [smem:$0x3FDB];
	s0 =	simm.s32 @p2 $0x1  }
0x17: {  	s4 =	simm.s32 $0x1BF5;
	[smem:$0x3FBB] =	sst s0  }
0x18: {  	s0 =	sld [smem:$0x3F9E];
	_ =	swait.ge [sflag:s4], $0x0  }
0x19: {  	s7 =	sld [smem:$0x3F9F]  }
0x1a: {  	s8 =	sadd.s32 $0xFFFFE003, lr  }
0x1b: {  	s9 =	sadd.s32 $0xFFFFFEF7, lr;
	s5 =	simm.s32 $0xFFFFFFFF;
	p2 =	slt.u32 s8, $0xFFFFF086  }
0x1c: {  	p1 =	slt.u32 s9, $0xF7A;
	s5 =	simm.s32 @!p2 $0x0  }
0x1d: {  	s5 =	simm.s32 @p1 $0x1;
	p0 =	seq.s32 s7, s2  }
0x1e: {  	s7 =	smul.u32 @!p0 $0xF7A, s2;
	p2 =	seq.s32 @!p0 s5, $0x0  }
0x1f: {  	s9 =	smul.u32 $0xF7A, s1;
	s8 =	simm.s32 @!p0 $0x1BF5;
	p2 =	por !p2, p0  }
0x20: {  	[sflag:s8] =	ssyncset.s32 @!p0 $0xFFFFF086;
	s6 =	sadd.s32 @!p0 s3, s7;
	s7 =	simm.s32 @!p0 $0x108  }
0x21: {  	s3 =	sadd.s32 s3, s9;
	s6 =	sadd.s32 @!p0 $0x88, s6;
	s7 =	simm.s32 @p2 $0x1082  }
0x22: {  	[simem:s7], [sflag:s8] =	dma.local @!p0 [hbm:s6], $0xF7A  }
0x23: {  	s9 =	sor.u32 $0xD0000000, s2;
	s6 =	simm.s32 $0x108;
	_ =	swait.ge @!p0 [sflag:s8], $0x0  }
0x24: {  	s3 =	sadd.s32 $0x88, s3;
	s6 =	simm.s32 @!p1 $0x1082;
	[sflag:s4] =	ssyncset.s32 $0xFFFFF086  }
0x25: {  	[simem:s6], [sflag:s4] =	dma.local [hbm:s3], $0xF7A  }
0x26: {  	[smem:$0x3F9F] =	sst s1;
	(tag) =	ssettag s2;
	_ =	strace s9  }
0x27: {  	s1 =	sld [smem:$0x3FAF]  }
0x28: {  	s2 =	sld [smem:$0x3FB0]  }
0x29: {  	s4 =	sld [smem:$0x3FB2]  }
0x2a: {  	p0 =	seq.s32 s5, $0x0;
	s5 =	sld [smem:$0x3FB3]  }
0x2b: {  	s6 =	sld [smem:$0x3FB4]  }
0x2c: {  	s7 =	sld [smem:$0x3FB5]  }
0x2d: {  	s3 =	simm.s32 $0x108;
	s8 =	sld [smem:$0x3FB6]  }
0x2e: {  	s3 =	simm.s32 @!p0 $0x1082;
	s9 =	sld [smem:$0x3FB7]  }
0x2f: {  	lr =	sadd.s32 s0, s3;
	s0 =	sld [smem:$0x3FAE]  }
0x30: {  	s3 =	sld [smem:$0x3FB1]  }
0x31: {  	[smem:$0x3FBA] =	sst s10  }
0x32: {  	s10 =	sld [smem:$0x3FB8];
	_ =	sdelay $0x3  }
0x33: {  	p0 =	seq.s32 s10, $0x1;
	s10 =	sld [smem:$0x3FBA];
	_ =	sdelay $0x3  }
0x34: {  	[smem:$0x3FBA] =	sst s10  }
0x35: {  	s10 =	sld [smem:$0x3FB9];
	_ =	sdelay $0x3  }
0x36: {  	p1 =	seq.s32 s10, $0x1;
	s10 =	sld [smem:$0x3FBA];
	_ =	sdelay $0x3  }
0x37: {  	[smem:$0x3FBA] =	sst s10  }
0x38: {  	s10 =	sld [smem:$0x3FBB]  }
0x39: {  	_ = 	snop;
	(pc) =	sbr.ind lr, $3  }
0x3a: {  	_ = 	snop  }
0x3b: {  	_ = 	snop  }
0x3c: {  	p2 =	seq.s32 s10, $0x1;
	s10 =	sld [smem:$0x3FBA]  }
0x3d: {  	_ =	shalt  }
0x3e: {  	_ =	shalt  }
0x3f: {  	_ =	shalt  }
0x40: {  	_ =	shalt  }
0x41: {  	_ =	shalt  }
0x42: {  	_ =	shalt  }
0x43: {  	_ =	shalt  }
0x44: {  	_ =	shalt  }
0x45: {  	_ =	shalt  }
0x46: {  	_ =	shalt  }
0x47: {  	_ =	shalt  }
0x48: {  	_ =	shalt  }
0x49: {  	_ =	shalt  }
0x4a: {  	_ =	shalt  }
0x4b: {  	_ =	shalt  }
0x4c: {  	_ =	shalt  }
0x4d: {  	_ =	shalt  }
0x4e: {  	_ =	shalt  }
0x4f: {  	_ =	shalt  }
0x50: {  	_ =	shalt  }
0x51: {  	_ =	shalt  }
0x52: {  	_ =	shalt  }
0x53: {  	_ =	shalt  }
0x54: {  	_ =	shalt  }
0x55: {  	_ =	shalt  }
0x56: {  	_ =	shalt  }
0x57: {  	_ =	shalt  }
0x58: {  	_ =	shalt  }
0x59: {  	_ =	shalt  }
0x5a: {  	_ =	shalt  }
0x5b: {  	_ =	shalt  }
0x5c: {  	_ =	shalt  }
0x5d: {  	_ =	shalt  }
0x5e: {  	_ =	shalt  }
0x5f: {  	_ =	shalt  }
0x60: {  	_ =	shalt  }
0x61: {  	_ =	shalt  }
0x62: {  	_ =	shalt  }
0x63: {  	_ =	shalt  }
0x64: {  	_ =	shalt  }
0x65: {  	_ =	shalt  }
0x66: {  	_ =	shalt  }
0x67: {  	_ =	shalt  }
0x68: {  	_ =	shalt  }
0x69: {  	_ =	shalt  }
0x6a: {  	_ =	shalt  }
0x6b: {  	_ =	shalt  }
0x6c: {  	_ =	shalt  }
0x6d: {  	_ =	shalt  }
0x6e: {  	_ =	shalt  }
0x6f: {  	_ =	shalt  }
0x70: {  	_ =	shalt  }
0x71: {  	_ =	shalt  }
0x72: {  	_ =	shalt  }
0x73: {  	_ =	shalt  }
0x74: {  	_ =	shalt  }
0x75: {  	_ =	shalt  }
0x76: {  	_ =	shalt  }
0x77: {  	_ =	shalt  }
0x78: {  	_ =	shalt  }
0x79: {  	_ =	shalt  }
0x7a: {  	_ =	shalt  }
0x7b: {  	_ =	shalt  }
0x7c: {  	_ =	shalt  }
0x7d: {  	_ =	shalt  }
0x7e: {  	_ =	shalt  }
0x7f: {  	_ =	shalt  }
0x80: {  	_ =	shalt  }
0x81: {  	_ =	shalt  }
0x82: {  	_ =	shalt  }
0x83: {  	_ =	shalt  }
0x84: {  	_ =	shalt  }
0x85: {  	_ =	shalt  }
0x86: {  	_ =	shalt  }
0x87: {  	_ =	shalt  }
.Lfunc_end0:
.L_simem_size_0:
called_computation.1_lowered:
.L_overlay_start_0:
0x88: {  	s2 =	sld [smem:$0x3FD9]  }
0x89: {  	s3 =	sld [smem:$0x3FFE];
	_ =	sdelay $0x1  }
0x8a: {  	s1 =	srdreg.scid  }
0x8b: {  	s0 =	sand.u32 $0x1, s1  }
0x8c: {  	s17 =	sshll.u32 s0, $0xA;
	s2 =	sadd.s32 s3, s2  }
0x8d: {  	s2 =	sadd.s32 s2, s17  }
0x8e: {  	[smem:$0x3FC6] =	sst s2  }
0x8f: {  	_ = 	snop  }
0x90: {  	s2 =	sld [smem:$0x3FD0];
	(tm) =	ssettm $0x1  }
0x91: {  	s18 =	sld [smem:$0x3FFB];
	_ =	sdelay $0x3  }
0x92: {  	_ =	strace s18  }
0x93: {  	s3 =	sld [smem:$0x3FFC];
	_ =	sdelay $0x3  }
0x94: {  	_ =	strace s3  }
0x95: {  	s3 =	sld [smem:$0x3FFD];
	_ =	sdelay $0x3  }
0x96: {  	_ =	strace s3  }
0x97: {  	_ =	strace $0x8FFFFFFF  }
0x98: {  	s19 =	sld [smem:$0x3FDB];
	_ =	sdelay $0x1  }
0x99: {  	s4 =	simm.s32 $_scs_section_size  }
0x9a: {  	s5 =	simm.s32 $_size__tile_overlayer_lowered;
	s6 =	simm.s32 $_tile_overlayer_lowered  }
0x9b: {  	s22 =	simm.s32 $0x1BFF;
	s21 =	sshll.u32 s6, $0x1;
	s3 =	sadd.s32 s4, s19  }
0x9c: {  	s7 =	simm.s32 $0x0;
	s20 =	sshll.u32 s5, $0x1;
	s5 =	sadd.s32 s21, s3  }
0x9d: {  	[timem:s7], [sflag:s22] =	dma.local [hbm:s5], s20  }
0x9e: {  	_ =	swait.ge [sflag:s22], s20  }
0x9f: {  	s4 =	ssub.s32 $0x0, s20;
	[sflag:s22] =	ssyncset.done $0x0  }
0xa0: {  	[sflag:s22] =	ssyncadd.s32 s4;
	_ =	sdelay $0x1  }
0xa1: {  	s23 =	simm.s32 $0x1B8B  }
0xa2: {  	_ =	swait.ge [sflag:s23], $0x1  }
0xa3: {  	[sflag:s23] =	ssyncset.done $0x0  }
0xa4: {  	s25 =	simm.s32 $0x1B8E;
	s24 =	sld [smem:$0x3FFE];
	[sflag:s23] =	ssyncadd.s32 $0xFFFFFFFF  }
0xa5: {  	s26 =	simm.s32 $execute0_lowered;
	[smem:$0x3FD2] =	sst s25  }
0xa6: {  	s5 =	sshll.u32 s26, $0x1;
	_ =	strace $0x80000046;
	[dreg:$0x1] =	wrdreg $0xFFFFFFFF  }
0xa7: {  	s28 =	simm.s32 $_size_execute0_lowered;
	s3 =	sadd.s32 s3, s5;
	[dreg:$0x0] =	wrdreg $0x0  }
0xa8: {  	s5 =	sshll.u32 s28, $0x1;
	[dreg:$0x2] =	wrdreg s3  }
0xa9: {  	[dreg:$0x3] =	wrdreg s5  }
0xaa: {  	[dreg:$0x4] =	wrdreg $0xC0  }
0xab: {  	_ =	task [dreg:s7], $0x5FFFF  }
0xac: {  	[dreg:$0x1] =	wrdreg $0xFFFFFFFF  }
0xad: {  	[dreg:$0x0] =	wrdreg $0x60  }
0xae: {  	[dreg:$0x2] =	wrdreg s24  }
0xaf: {  	[dreg:$0x3] =	wrdreg s2  }
0xb0: {  	[dreg:$0x4] =	wrdreg $0x9  }
0xb1: {  	_ =	task.clear_ibuf [dreg:s7], $0x5FFFF;
	_ =	strace $0x90000046  }
0xb2: {  	s29 =	simm.s32 $0x9;
	_ =	strace $0x80000048  }
0xb3: {  	_ =	swait.ge [sflag:s29], $0x1  }
0xb4: {  	[sflag:s29] =	ssyncadd.s32 $0xFFFFFFFF  }
0xb5: {  	_ =	strace $0x90000048  }
0xb6: {  	_ =	sfence  }
0xb7: {  	s30 =	sld [smem:$0x0];
	_ =	sdelay $0x2  }
0xb8: {  	s31 =	sshll.u32 s1, $0xD;
	s1 =	sshrl.u32 s1, $0x2  }
0xb9: {  	s3 =	sand.u32 $0x4000, s31;
	s1 =	sadd.s32 s1, s30  }
0xba: {  	s0 =	sor.u32 s3, s0;
	s1 =	sshll.u32 s1, $0x11  }
0xbb: {  	s0 =	sor.u32 s1, s0  }
0xbc: {  	s0 =	sadd.s32 $0x8F2B, s0  }
0xbd: {  	[sflag:s0] =	ssyncadd.remote.s32 $0x1  }
0xbe: {  	_ =	sfence.sel $0xFFFF  }
0xbf: {  	[dreg:$0x0] =	wrdreg $0xFFFFFFFF;
	(pc) =	sbr.abs _section_cstart, $3  }
0xc0: {  	[dreg:$0x1] =	wrdreg $0xFFFFFFFF  }
0xc1: {  	_ =	task.clear_ibuf [dreg:s7], $0x2FFFF;
	_ =	strace $0x9FFFFFFF  }
0xc2: {  	(tm) =	ssettm $0x7FFFFFFF  }
0xc3: {  	_ =	shalt  }
tec
execute0_lowered:
.L_overlay_start_1:
0x0: {  	(tag) =	ssettag $0x1  }
0x1: {  	s0 =	rddreg [dreg:$0x0];
	s1 =	srdreg.scid  }
0x2: {  	s12 =	stileid.u32;
	s6 =	rddreg [dreg:$0x1];
	s2 =	simm.s32 $0x0  }
0x3: {  	s28 =	simm.s32 $0x7;
	s29 =	simm.s32 $0x3;
	s30 =	simm.s32 $0x6  }
0x4: {  	s31 =	simm.s32 $0x8;
	s1 =	sand.u32 $0x1, s1;
	s26 =	smul.u32 $0x640000, s12  }
0x5: {  	s3 =	sshll.u32 s12, $0x1;
	[smem:$0x7FF] =	sst s2;
	s13 =	smul.u32 $0x32000, s12  }
0x6: {  	s4 =	sadd.s32 $0xFA6C00, s0;
	s7 =	sor.u32 s1, s3;
	s10 =	smul.u32 $0x320000, s1  }
0x7: {  	_ =	strace $0x80000047;
	s5 =	ssub.s32 $0x2, s1;
	s1 =	smul.u32 $0x19000, s1  }
0x8: {  	s3 =	sadd.s32 $0x800, s0;
	s8 =	smul.u32 $0x19000, s7;
	s24 =	sshrl.u32 s5, $0x1  }
0x9: {  	s7 =	smul.u32 $0x320000, s7;
	s0 =	ssub.s32 s5, s24;
	s17 =	sadd.s32 s10, s26  }
0xa: {  	s1 =	sadd.s32 s1, s13;
	s9 =	sshrl.u32 s8, $0x3;
	s8 =	sadd.s32 $0x18C00, s8  }
0xb: {  	s7 =	sshrl.u32 s7, $0x3;
	s13 =	smax.u32 s0, $0x1;
	s18 =	sshrl.u32 s17, $0x3  }
0xc: {  	s19 =	sshll.u32 s1, $0x2;
	s20 =	sadd.s32 $0x1800, s1;
	s23 =	sadd.s32 $0x1400, s1  }
0xd: {  	s24 =	sor.u32 $0xC00, s1;
	s5 =	sadd.s32 s3, s9;
	s11 =	sshrl.u32 s8, $0x3  }
0xe: {  	s7 =	sadd.s32 s6, s7;
	s16 =	sshll.u32 s8, $0x2;
	s0 =	sadd.s32 s18, s6  }
0xf: {  	s21 =	sshrl.u32 s20, $0x3;
	s9 =	sadd.s32 $0x80, s5;
	[dreg:$0x3] =	wrdreg s0  }
0x10: {  	s26 =	sshrl.u32 s24, $0x3;
	s25 =	sadd.s32 $0x100, s5;
	[dreg:$0x6] =	wrdreg s9  }
0x11: {  	s20 =	simm.s32 $0x800;
	s11 =	sadd.s32 s3, s11;
	[dreg:$0x7] =	wrdreg s25  }
0x12: {  	s14 =	sadd.s32 $0x60000, s7;
	s15 =	sadd.s32 $0x61000, s7;
	[dreg:$0x8] =	wrdreg s11  }
0x13: {  	s7 =	sadd.s32 $0x62000, s7;
	s0 =	sshrl.u32 s23, $0x3;
	[dreg:$0x9] =	wrdreg s14  }
0x14: {  	s18 =	sadd.s32 s26, s3;
	s23 =	simm.s32 $0x2;
	[dreg:$0xa] =	wrdreg s15  }
0x15: {  	s26 =	simm.s32 $0x5;
	[dreg:$0xb] =	wrdreg s7;
	s7 =	sadd.s32 s6, s16  }
0x16: {  	s14 =	sadd.s32 s21, s3;
	s15 =	sadd.s32 s0, s3;
	s25 =	sshll.u32 s24, $0x2  }
0x17: {  	s16 =	sadd.s32 $0x1000, s1;
	s21 =	simm.s32 $0x1;
	s24 =	simm.s32 $0x9000  }
0x18: {  	s1 =	simm.s32 $0x4;
	[dreg:$0xc] =	wrdreg s7;
	s7 =	sadd.s32 s19, s6  }
0x19: {  	s0 =	simm.s32 $0x0;
	s17 =	sadd.s32 s25, s6;
	s22 =	sadd.s32 $0x2000, s7  }
0x1a: {  	s19 =	simm.s32 $0x400;
	s7 =	sadd.s32 $0x1000, s7;
	[dreg:$0x4] =	wrdreg s22  }
0x1b: {  	s25 =	simm.s32 $0xC00;
	[dreg:$0x5] =	wrdreg s7;
	s22 =	simm.s32 $0x1000  }
.LBB2_1:
0x1c: {  	[tilespmem:s2], [sflag:$0x1] =	stream.linear.gather [hbm4b:s5+s2], $0x400, $0x38;
	[tilespmem:$0x11000] =	vst v63  }
0x1d: {  	s6 =	rddreg [dreg:$0x6]  }
0x1e: {  	[tilespmem:s19], [sflag:$0x2] =	stream.linear.gather [hbm4b:s6+s2], $0x400, $0x38;
	[tilespmem:$0x11000] =	vst v63  }
0x1f: {  	s7 =	rddreg [dreg:$0x7]  }
0x20: {  	[tilespmem:s20], [sflag:$0x3] =	stream.linear.gather [hbm4b:s7+s2], $0x400, $0x38;
	[tilespmem:$0x11000] =	vst v63  }
0x21: {  	_ =	swait.ge [sflag:s21], $0x400  }
0x22: {  	[sflag:s21] =	ssyncset.done $0x0  }
0x23: {  	[sflag:s21] =	ssyncadd.s32 $0xFFFFFC00  }
0x24: {  	[tilespmem:s22], [sflag:$0x5] =	stream.indirect.gather [hbm4b:s4+s19], $0x20, s2, s19, $0xb8;
	[tilespmem:$0x11000] =	vst v63  }
0x25: {  	_ =	swait.ge [sflag:s23], $0x400  }
0x26: {  	[sflag:s23] =	ssyncset.done $0x0  }
0x27: {  	[sflag:s23] =	ssyncadd.s32 $0xFFFFFC00  }
0x28: {  	[tilespmem:s24], [sflag:$0x6] =	stream.indirect.gather [hbm4b:s4+s19], $0x20, s19, s19, $0xb8;
	[tilespmem:$0x11000] =	vst v63  }
0x29: {  	_ = 	snop  }
0x2a: {  	[tilespmem:s25], [sflag:$0x4] =	stream.linear.gather [hbm4b:s18+s2], $0x400, $0x38;
	[tilespmem:$0x11000] =	vst v63  }
0x2b: {  	_ =	swait.ge [sflag:s26], $0x8000  }
0x2c: {  	s8 =	rddreg [dreg:$0x3];
	[sflag:s26] =	ssyncset.done $0x0  }
0x2d: {  	[sflag:s26] =	ssyncadd.s32 $0xFFFF8000;
	s6 =	sadd.s32 $0x0, s8  }
0x2e: {  	[hbm4b:s6+s2] =	stream.linear.scatter [tilespmem:s22], [sflag:$0x7], $0x8000, $0x38;
	[tilespmem:$0x11000] =	vst v63  }
0x2f: {  	_ =	swait.ge [sflag:s28], $0x8000  }
0x30: {  	[sflag:s28] =	ssyncset.done $0x0  }
0x31: {  	[sflag:s28] =	ssyncadd.s32 $0xFFFF8000  }
0x32: {  	_ =	swait.ge [sflag:s29], $0x400  }
0x33: {  	[sflag:s29] =	ssyncset.done $0x0  }
0x34: {  	s9 =	sshrl.u32 s16, $0x3;
	[sflag:s29] =	ssyncadd.s32 $0xFFFFFC00  }
0x35: {  	[tilespmem:s22], [sflag:$0x5] =	stream.indirect.gather [hbm4b:s4+s19], $0x20, s20, s19, $0xb8;
	[tilespmem:$0x11000] =	vst v63  }
0x36: {  	s6 =	sadd.s32 s3, s9  }
0x37: {  	[tilespmem:s2], [sflag:$0x1] =	stream.linear.gather [hbm4b:s6+s2], $0x400, $0x38;
	[tilespmem:$0x11000] =	vst v63  }
0x38: {  	_ =	swait.ge [sflag:s30], $0x8000  }
0x39: {  	s10 =	rddreg [dreg:$0x5];
	[sflag:s30] =	ssyncset.done $0x0  }
0x3a: {  	[sflag:s30] =	ssyncadd.s32 $0xFFFF8000;
	s6 =	sadd.s32 $0x0, s10  }
0x3b: {  	[hbm4b:s6+s2] =	stream.linear.scatter [tilespmem:s24], [sflag:$0x8], $0x8000, $0x38;
	[tilespmem:$0x11000] =	vst v63  }
0x3c: {  	_ =	swait.ge [sflag:s31], $0x8000  }
0x3d: {  	[sflag:s31] =	ssyncset.done $0x0  }
0x3e: {  	[sflag:s31] =	ssyncadd.s32 $0xFFFF8000  }
0x3f: {  	_ =	swait.ge [sflag:s1], $0x400  }
0x40: {  	[sflag:s1] =	ssyncset.done $0x0  }
0x41: {  	[sflag:s1] =	ssyncadd.s32 $0xFFFFFC00  }
0x42: {  	[tilespmem:s24], [sflag:$0x6] =	stream.indirect.gather [hbm4b:s4+s19], $0x20, s25, s19, $0xb8;
	[tilespmem:$0x11000] =	vst v63  }
0x43: {  	_ = 	snop  }
0x44: {  	[tilespmem:s19], [sflag:$0x2] =	stream.linear.gather [hbm4b:s15+s2], $0x400, $0x38;
	[tilespmem:$0x11000] =	vst v63  }
0x45: {  	_ =	swait.ge [sflag:s26], $0x8000  }
0x46: {  	s11 =	rddreg [dreg:$0x4];
	[sflag:s26] =	ssyncset.done $0x0  }
0x47: {  	[sflag:s26] =	ssyncadd.s32 $0xFFFF8000;
	s6 =	sadd.s32 $0x0, s11  }
0x48: {  	[hbm4b:s6+s2] =	stream.linear.scatter [tilespmem:s22], [sflag:$0x7], $0x8000, $0x38;
	[tilespmem:$0x11000] =	vst v63  }
0x49: {  	_ =	swait.ge [sflag:s28], $0x8000  }
0x4a: {  	[sflag:s28] =	ssyncset.done $0x0  }
0x4b: {  	[sflag:s28] =	ssyncadd.s32 $0xFFFF8000  }
0x4c: {  	_ =	swait.ge [sflag:s21], $0x400  }
0x4d: {  	[sflag:s21] =	ssyncset.done $0x0  }
0x4e: {  	[sflag:s21] =	ssyncadd.s32 $0xFFFFFC00  }
0x4f: {  	[tilespmem:s22], [sflag:$0x5] =	stream.indirect.gather [hbm4b:s4+s19], $0x20, s2, s19, $0xb8;
	[tilespmem:$0x11000] =	vst v63  }
0x50: {  	_ = 	snop  }
0x51: {  	[tilespmem:s20], [sflag:$0x3] =	stream.linear.gather [hbm4b:s14+s2], $0x400, $0x38;
	[tilespmem:$0x11000] =	vst v63  }
0x52: {  	_ =	swait.ge [sflag:s30], $0x8000  }
0x53: {  	[sflag:s30] =	ssyncset.done $0x0  }
0x54: {  	s12 =	sadd.s32 $0x0, s17;
	[sflag:s30] =	ssyncadd.s32 $0xFFFF8000  }
0x55: {  	[hbm4b:s12+s2] =	stream.linear.scatter [tilespmem:s24], [sflag:$0x8], $0x8000, $0x38;
	[tilespmem:$0x11000] =	vst v63  }
0x56: {  	_ =	swait.ge [sflag:s31], $0x8000  }
0x57: {  	[sflag:s31] =	ssyncset.done $0x0  }
0x58: {  	[sflag:s31] =	ssyncadd.s32 $0xFFFF8000  }
0x59: {  	s7 =	sadd.s32 $0x1000, s16;
	_ =	swait.ge [sflag:s23], $0x400  }
0x5a: {  	s8 =	sadd.s32 $0x200, s18;
	s9 =	sadd.s32 $0x200, s14;
	[sflag:s23] =	ssyncset.done $0x0  }
0x5b: {  	s10 =	sadd.s32 $0x200, s15;
	s6 =	simm.s32 $0x4000;
	[sflag:s23] =	ssyncadd.s32 $0xFFFFFC00  }
.LBB2_2:
0x5c: {  	[tilespmem:s24], [sflag:$0x6] =	stream.indirect.gather [hbm4b:s4+s19], $0x20, s19, s19, $0xb8;
	[tilespmem:$0x11000] =	vst v63  }
0x5d: {  	_ = 	snop  }
0x5e: {  	[tilespmem:s25], [sflag:$0x4] =	stream.linear.gather [hbm4b:s8+s2], $0x400, $0x38;
	[tilespmem:$0x11000] =	vst v63  }
0x5f: {  	_ =	swait.ge [sflag:s26], $0x8000  }
0x60: {  	s11 =	smov.u32 s6;
	s12 =	rddreg [dreg:$0x3];
	[sflag:s26] =	ssyncset.done $0x0  }
0x61: {  	[sflag:s26] =	ssyncadd.s32 $0xFFFF8000;
	s12 =	sadd.s32 s11, s12  }
0x62: {  	[hbm4b:s12+s2] =	stream.linear.scatter [tilespmem:s22], [sflag:$0x7], $0x8000, $0x38;
	[tilespmem:$0x11000] =	vst v63  }
0x63: {  	_ =	swait.ge [sflag:s28], $0x8000  }
0x64: {  	[sflag:s28] =	ssyncset.done $0x0  }
0x65: {  	[sflag:s28] =	ssyncadd.s32 $0xFFFF8000  }
0x66: {  	_ =	swait.ge [sflag:s29], $0x400  }
0x67: {  	[sflag:s29] =	ssyncset.done $0x0  }
0x68: {  	s12 =	sshrl.u32 s7, $0x3;
	[sflag:s29] =	ssyncadd.s32 $0xFFFFFC00  }
0x69: {  	[tilespmem:s22], [sflag:$0x5] =	stream.indirect.gather [hbm4b:s4+s19], $0x20, s20, s19, $0xb8;
	[tilespmem:$0x11000] =	vst v63  }
0x6a: {  	s12 =	sadd.s32 s3, s12  }
0x6b: {  	[tilespmem:s2], [sflag:$0x1] =	stream.linear.gather [hbm4b:s12+s2], $0x400, $0x38;
	[tilespmem:$0x11000] =	vst v63  }
0x6c: {  	_ =	swait.ge [sflag:s30], $0x8000  }
0x6d: {  	s12 =	rddreg [dreg:$0x5];
	[sflag:s30] =	ssyncset.done $0x0  }
0x6e: {  	[sflag:s30] =	ssyncadd.s32 $0xFFFF8000;
	s12 =	sadd.s32 s11, s12  }
0x6f: {  	[hbm4b:s12+s2] =	stream.linear.scatter [tilespmem:s24], [sflag:$0x8], $0x8000, $0x38;
	[tilespmem:$0x11000] =	vst v63  }
0x70: {  	_ =	swait.ge [sflag:s31], $0x8000  }
0x71: {  	[sflag:s31] =	ssyncset.done $0x0  }
0x72: {  	[sflag:s31] =	ssyncadd.s32 $0xFFFF8000  }
0x73: {  	_ =	swait.ge [sflag:s1], $0x400  }
0x74: {  	[sflag:s1] =	ssyncset.done $0x0  }
0x75: {  	[sflag:s1] =	ssyncadd.s32 $0xFFFFFC00  }
0x76: {  	[tilespmem:s24], [sflag:$0x6] =	stream.indirect.gather [hbm4b:s4+s19], $0x20, s25, s19, $0xb8;
	[tilespmem:$0x11000] =	vst v63  }
0x77: {  	_ = 	snop  }
0x78: {  	[tilespmem:s19], [sflag:$0x2] =	stream.linear.gather [hbm4b:s10+s2], $0x400, $0x38;
	[tilespmem:$0x11000] =	vst v63  }
0x79: {  	_ =	swait.ge [sflag:s26], $0x8000  }
0x7a: {  	s12 =	rddreg [dreg:$0x4];
	[sflag:s26] =	ssyncset.done $0x0  }
0x7b: {  	[sflag:s26] =	ssyncadd.s32 $0xFFFF8000;
	s12 =	sadd.s32 s11, s12  }
0x7c: {  	[hbm4b:s12+s2] =	stream.linear.scatter [tilespmem:s22], [sflag:$0x7], $0x8000, $0x38;
	[tilespmem:$0x11000] =	vst v63  }
0x7d: {  	_ =	swait.ge [sflag:s28], $0x8000  }
0x7e: {  	[sflag:s28] =	ssyncset.done $0x0  }
0x7f: {  	[sflag:s28] =	ssyncadd.s32 $0xFFFF8000  }
0x80: {  	_ =	swait.ge [sflag:s21], $0x400  }
0x81: {  	[sflag:s21] =	ssyncset.done $0x0  }
0x82: {  	[sflag:s21] =	ssyncadd.s32 $0xFFFFFC00  }
0x83: {  	[tilespmem:s22], [sflag:$0x5] =	stream.indirect.gather [hbm4b:s4+s19], $0x20, s2, s19, $0xb8;
	[tilespmem:$0x11000] =	vst v63  }
0x84: {  	_ = 	snop  }
0x85: {  	[tilespmem:s20], [sflag:$0x3] =	stream.linear.gather [hbm4b:s9+s2], $0x400, $0x38;
	[tilespmem:$0x11000] =	vst v63  }
0x86: {  	_ =	swait.ge [sflag:s30], $0x8000  }
0x87: {  	[sflag:s30] =	ssyncset.done $0x0  }
0x88: {  	s11 =	sadd.s32 s11, s17;
	[sflag:s30] =	ssyncadd.s32 $0xFFFF8000  }
0x89: {  	[hbm4b:s11+s2] =	stream.linear.scatter [tilespmem:s24], [sflag:$0x8], $0x8000, $0x38;
	[tilespmem:$0x11000] =	vst v63  }
0x8a: {  	p0 =	sne.s32 s6, $0x5C000;
	_ =	swait.ge [sflag:s31], $0x8000  }
.Ltmp0:
0x8b: {  	[sflag:s31] =	ssyncset.done $0x0;
	(pc) =	sbr.rel @p0 .LBB2_2-.Ltmp0, $4  }
0x8c: {  	[sflag:s31] =	ssyncadd.s32 $0xFFFF8000  }
0x8d: {  	s6 =	sadd.s32 $0x4000, s6;
	_ =	swait.ge [sflag:s23], $0x400  }
0x8e: {  	s8 =	sadd.s32 $0x200, s8;
	s7 =	sadd.s32 $0x1000, s7;
	[sflag:s23] =	ssyncset.done $0x0  }
0x8f: {  	s10 =	sadd.s32 $0x200, s10;
	s9 =	sadd.s32 $0x200, s9;
	[sflag:s23] =	ssyncadd.s32 $0xFFFFFC00  }
0x90: {  	[tilespmem:s24], [sflag:$0x6] =	stream.indirect.gather [hbm4b:s4+s19], $0x20, s19, s19, $0xb8;
	[tilespmem:$0x11000] =	vst v63  }
0x91: {  	s6 =	rddreg [dreg:$0x8]  }
0x92: {  	[tilespmem:s25], [sflag:$0x4] =	stream.linear.gather [hbm4b:s6+s2], $0x400, $0x38;
	[tilespmem:$0x11000] =	vst v63  }
0x93: {  	_ =	swait.ge [sflag:s26], $0x8000  }
0x94: {  	[sflag:s26] =	ssyncset.done $0x0  }
0x95: {  	s9 =	rddreg [dreg:$0x9];
	[sflag:s26] =	ssyncadd.s32 $0xFFFF8000  }
0x96: {  	[hbm4b:s9+s2] =	stream.linear.scatter [tilespmem:s22], [sflag:$0x7], $0x8000, $0x38;
	[tilespmem:$0x11000] =	vst v63  }
0x97: {  	_ =	swait.ge [sflag:s28], $0x8000  }
0x98: {  	[sflag:s28] =	ssyncset.done $0x0  }
0x99: {  	[sflag:s28] =	ssyncadd.s32 $0xFFFF8000  }
0x9a: {  	_ =	swait.ge [sflag:s29], $0x400  }
0x9b: {  	[sflag:s29] =	ssyncset.done $0x0  }
0x9c: {  	[sflag:s29] =	ssyncadd.s32 $0xFFFFFC00  }
0x9d: {  	[tilespmem:s22], [sflag:$0x5] =	stream.indirect.gather [hbm4b:s4+s19], $0x20, s20, s19, $0xb8;
	[tilespmem:$0x11000] =	vst v63  }
0x9e: {  	_ =	swait.ge [sflag:s30], $0x8000  }
0x9f: {  	[sflag:s30] =	ssyncset.done $0x0  }
0xa0: {  	s10 =	rddreg [dreg:$0xa];
	[sflag:s30] =	ssyncadd.s32 $0xFFFF8000  }
0xa1: {  	[hbm4b:s10+s2] =	stream.linear.scatter [tilespmem:s24], [sflag:$0x8], $0x8000, $0x38;
	[tilespmem:$0x11000] =	vst v63  }
0xa2: {  	_ =	swait.ge [sflag:s31], $0x8000  }
0xa3: {  	[sflag:s31] =	ssyncset.done $0x0  }
0xa4: {  	[sflag:s31] =	ssyncadd.s32 $0xFFFF8000  }
0xa5: {  	_ =	swait.ge [sflag:s1], $0x400  }
0xa6: {  	[sflag:s1] =	ssyncset.done $0x0  }
0xa7: {  	[sflag:s1] =	ssyncadd.s32 $0xFFFFFC00  }
0xa8: {  	[tilespmem:s24], [sflag:$0x6] =	stream.indirect.gather [hbm4b:s4+s19], $0x20, s25, s19, $0xb8;
	[tilespmem:$0x11000] =	vst v63  }
0xa9: {  	_ =	swait.ge [sflag:s26], $0x8000  }
0xaa: {  	[sflag:s26] =	ssyncset.done $0x0  }
0xab: {  	s11 =	rddreg [dreg:$0xb];
	[sflag:s26] =	ssyncadd.s32 $0xFFFF8000  }
0xac: {  	[hbm4b:s11+s2] =	stream.linear.scatter [tilespmem:s22], [sflag:$0x7], $0x8000, $0x38;
	[tilespmem:$0x11000] =	vst v63  }
0xad: {  	_ =	swait.ge [sflag:s28], $0x8000  }
0xae: {  	[sflag:s28] =	ssyncset.done $0x0  }
0xaf: {  	[sflag:s28] =	ssyncadd.s32 $0xFFFF8000  }
0xb0: {  	s0 =	sadd.s32 $0x1, s0;
	_ =	swait.ge [sflag:s30], $0x8000  }
0xb1: {  	p0 =	sne.s32 s0, s13;
	[sflag:s30] =	ssyncset.done $0x0  }
.Ltmp1:
0xb2: {  	s12 =	rddreg [dreg:$0xc];
	[sflag:s30] =	ssyncadd.s32 $0xFFFF8000;
	(pc) =	sbr.rel @p0 .LBB2_1-.Ltmp1, $4  }
0xb3: {  	[hbm4b:s12+s2] =	stream.linear.scatter [tilespmem:s24], [sflag:$0x8], $0x8000, $0x38;
	[tilespmem:$0x11000] =	vst v63  }
0xb4: {  	_ =	swait.ge [sflag:s31], $0x8000  }
0xb5: {  	[sflag:s31] =	ssyncset.done $0x0  }
0xb6: {  	[sflag:s31] =	ssyncadd.s32 $0xFFFF8000  }
0xb7: {  	_ =	sfence.sel $0x180000  }
0xb8: {  	[bflag:$0x0] =	sbarrier.arrive $0xFFFF  }
0xb9: {  	_ =	strace $0x90000047  }
0xba: {  	s0 =	stileid.u32;
	[bflag:$0x2] =	sbarrier.arrive $0xFFFF  }
0xbb: {  	p0 =	sne.s32 s0, $0x0;
	s0 =	rddreg [dreg:$0x2]  }
0xbc: {  	s0 =	sadd.s32 @!p0 $0x100000, s0  }
0xbd: {  	[sflag:s0] =	ssyncadd.tile.s32 @!p0 $0x1;
	_ =	shalt  }
.Lfunc_end2:
_tile_overlayer_lowered:
.L_overlay_start_2:
0xbe: {  	(tag) =	ssettag $0x2  }
0xbf: {  	s0 =	rddreg [dreg:$0x0];
	s2 =	stileid.u32  }
0xc0: {  	s1 =	rddreg [dreg:$0x1];
	p0 =	sne.s32 s2, $0x0  }
0xc1: {  	s3 =	rddreg [dreg:$0x2];
	[bflag:$0x3] =	sbarrier.arrive $0xFFFF;
	s2 =	simm.s32 @!p0 $0x1C09  }
0xc2: {  	[timem:s3], [sflag:s2] =	dma.local @!p0 [hbm:s0], s1  }
0xc3: {  	s0 =	simm.s32 @!p0 $0x9  }
0xc4: {  	_ =	swait.ge @!p0 [sflag:s0], s1  }
0xc5: {  	s1 =	ssub.s32 @!p0 $0x0, s1;
	[sflag:s0] =	ssyncset.done @!p0 $0x0  }
0xc6: {  	[sflag:s0] =	ssyncadd.s32 @!p0 s1  }
0xc7: {  	[bflag:$0x3] =	sbarrier.arrive $0xFFFF  }
0xc8: {  	_ =	shalt  }

// kernel: sparse-core-data-format-call.cloned.1.call-start
scs
called_computation_lowered:
.L_overlay_start_0:
0x0: {  	s2 =	sld [smem:$0x3FD9]  }
0x1: {  	s3 =	sld [smem:$0x3FFE];
	_ =	sdelay $0x1  }
0x2: {  	s1 =	srdreg.scid  }
0x3: {  	s0 =	sand.u32 $0x1, s1  }
0x4: {  	s18 =	sshll.u32 s0, $0xA;
	s2 =	sadd.s32 s3, s2  }
0x5: {  	s2 =	sadd.s32 s2, s18  }
0x6: {  	[smem:$0x3FC6] =	sst s2  }
0x7: {  	_ = 	snop  }
0x8: {  	s2 =	sld [smem:$0x3FD0];
	(tm) =	ssettm $0x1  }
0x9: {  	s19 =	sld [smem:$0x3FFB];
	_ =	sdelay $0x3  }
0xa: {  	_ =	strace s19  }
0xb: {  	s3 =	sld [smem:$0x3FFC];
	_ =	sdelay $0x3  }
0xc: {  	_ =	strace s3  }
0xd: {  	s3 =	sld [smem:$0x3FFD];
	_ =	sdelay $0x3  }
0xe: {  	_ =	strace s3  }
0xf: {  	_ =	strace $0x8FFFFFFF  }
0x10: {  	s20 =	sld [smem:$0x3FDB];
	_ =	sdelay $0x1  }
0x11: {  	s4 =	simm.s32 $_scs_section_size  }
0x12: {  	s5 =	simm.s32 $_size__tile_overlayer_lowered;
	s6 =	simm.s32 $_tile_overlayer_lowered  }
0x13: {  	s23 =	simm.s32 $0x1BFF;
	s22 =	sshll.u32 s6, $0x1;
	s3 =	sadd.s32 s4, s20  }
0x14: {  	s7 =	simm.s32 $0x0;
	s21 =	sshll.u32 s5, $0x1;
	s5 =	sadd.s32 s22, s3  }
0x15: {  	[timem:s7], [sflag:s23] =	dma.local [hbm:s5], s21  }
0x16: {  	_ =	swait.ge [sflag:s23], s21  }
0x17: {  	s4 =	ssub.s32 $0x0, s21;
	[sflag:s23] =	ssyncset.done $0x0  }
0x18: {  	[sflag:s23] =	ssyncadd.s32 s4;
	_ =	sdelay $0x1  }
0x19: {  	s24 =	simm.s32 $0x1B8B  }
0x1a: {  	_ =	swait.ge [sflag:s24], $0x1  }
0x1b: {  	[sflag:s24] =	ssyncset.done $0x0  }
0x1c: {  	s26 =	simm.s32 $0x1B8E;
	s25 =	sld [smem:$0x3FFE];
	[sflag:s24] =	ssyncadd.s32 $0xFFFFFFFF  }
0x1d: {  	s27 =	simm.s32 $execute0_lowered;
	[smem:$0x3FD2] =	sst s26  }
0x1e: {  	s5 =	sshll.u32 s27, $0x1;
	_ =	strace $0x80000049;
	[dreg:$0x1] =	wrdreg $0xFFFFFFFF  }
0x1f: {  	s28 =	simm.s32 $_size_execute0_lowered;
	s3 =	sadd.s32 s3, s5;
	[dreg:$0x0] =	wrdreg $0x0  }
0x20: {  	s5 =	sshll.u32 s28, $0x1;
	[dreg:$0x2] =	wrdreg s3  }
0x21: {  	[dreg:$0x3] =	wrdreg s5  }
0x22: {  	[dreg:$0x4] =	wrdreg $0xC0  }
0x23: {  	_ =	task [dreg:s7], $0x5FFFF  }
0x24: {  	[dreg:$0x1] =	wrdreg $0xFFFFFFFF  }
0x25: {  	[dreg:$0x0] =	wrdreg $0x60  }
0x26: {  	[dreg:$0x2] =	wrdreg s25  }
0x27: {  	[dreg:$0x3] =	wrdreg s2  }
0x28: {  	[dreg:$0x4] =	wrdreg $0x9  }
0x29: {  	_ =	task.clear_ibuf [dreg:s7], $0x5FFFF;
	_ =	strace $0x90000049  }
0x2a: {  	s29 =	simm.s32 $0x9;
	_ =	strace $0x8000004B  }
0x2b: {  	_ =	swait.ge [sflag:s29], $0x1  }
0x2c: {  	[sflag:s29] =	ssyncadd.s32 $0xFFFFFFFF  }
0x2d: {  	_ =	strace $0x9000004B  }
0x2e: {  	_ =	sfence  }
0x2f: {  	s30 =	sld [smem:$0x0];
	_ =	sdelay $0x2  }
0x30: {  	s31 =	sshll.u32 s1, $0xD;
	s1 =	sshrl.u32 s1, $0x2  }
0x31: {  	s3 =	sand.u32 $0x4000, s31;
	s1 =	sadd.s32 s1, s30  }
0x32: {  	s0 =	sor.u32 s3, s0;
	s1 =	sshll.u32 s1, $0x11  }
0x33: {  	s0 =	sor.u32 s1, s0  }
0x34: {  	s0 =	sadd.s32 $0x8F2B, s0  }
0x35: {  	[sflag:s0] =	ssyncadd.remote.s32 $0x1  }
0x36: {  	_ =	sfence.sel $0xFFFF  }
0x37: {  	[dreg:$0x0] =	wrdreg $0xFFFFFFFF;
	(pc) =	sbr.abs _section_cstart, $3  }
0x38: {  	[dreg:$0x1] =	wrdreg $0xFFFFFFFF  }
0x39: {  	_ =	task.clear_ibuf [dreg:s7], $0x2FFFF;
	_ =	strace $0x9FFFFFFF  }
0x3a: {  	(tm) =	ssettm $0x7FFFFFFF  }
0x3b: {  	_ =	shalt  }
tec
execute0_lowered:
.L_overlay_start_1:
0x0: {  	(tag) =	ssettag $0x1  }
0x1: {  	s0 =	srdreg.scid  }
0x2: {  	s1 =	sshll.u32 s0, $0x4  }
0x3: {  	s0 =	stileid.u32;
	s1 =	sand.u32 $0x10, s1  }
0x4: {  	s1 =	sor.u32 s0, s1  }
0x5: {  	s6 =	rddreg [dreg:$0x0];
	s4 =	simm.s32 $0x1;
	s2 =	sshll.u32 s1, $0x7  }
0x6: {  	s7 =	simm.s32 $0x2;
	s12 =	simm.s32 $0x0;
	s1 =	ssub.s32 $0x4000, s2  }
0x7: {  	s8 =	simm.s32 $0x20000;
	s13 =	simm.s32 $0x0;
	s3 =	sand.u32 $0xF80, s1  }
0x8: {  	s9 =	simm.s32 $0x0;
	s5 =	sshrl.u32 s1, $0xC;
	p0 =	sne.s32 s3, $0x0  }
.Ltmp0:
0x9: {  	s1 =	rddreg [dreg:$0x2];
	s4 =	simm.s32 @!p0 $0x0;
	(pc) =	sbr.rel .LBB1_1-.Ltmp0, $4  }
0xa: {  	s11 =	simm.s32 $0x0;
	s3 =	rddreg [dreg:$0x1];
	s5 =	sadd.s32 s4, s5  }
0xb: {  	_ =	strace $0x8000004A;
	s4 =	simm.s32 $0x1;
	s5 =	smul.u32 $0xC8, s5  }
0xc: {  	s6 =	sadd.s32 $0x800, s6;
	s10 =	smov.u32 s2;
	[sflag:s4] =	ssyncpa.u1 $0x0  }
0xd: {  	p0 =	por $0x0, $0x0;
	[sflag:s7] =	ssyncpa.u1 $0x0;
	s7 =	sor.u32 $0x1, s5  }
.LBB1_4:
0xe: {  	s16 =	sshll.u32 s13, $0x3;
	s17 =	sand.u32 $0x78, s13  }
0xf: {  	s30 =	sand.u32 $0xF800, s13;
	s12 =	sshll.u32 s12, $0x10;
	s16 =	sand.u32 $0x3C00, s16  }
0x10: {  	s31 =	sand.u32 $0x7, s13;
	s16 =	sor.u32 s17, s16;
	s17 =	sadd.s32 s3, s30  }
0x11: {  	s13 =	sshll.u32 s31, $0x12;
	s16 =	sshrl.u32 s16, $0x3;
	s12 =	sadd.s32 s12, s17  }
0x12: {  	[tilespmem:s15+$0x0 ss:$0x81] =	vst.msk $0xffff, v0;
	s13 =	sor.u32 $0x400, s13;
	s12 =	sadd.s32 s16, s12  }
0x13: {  	[hbm4b:s12+s13] =	stream.strided.scatter [tilespmem:s14], [sflag:$0x2], $0x1000, s8, s13, $0x20;
	[tilespmem:$0x4040] =	vst v63  }
.LBB1_5:
0x14: {  	s14 =	sadd.s32 $0x1, s9  }
0x15: {  	s12 =	sadd.s32 $0x1000, s10;
	s16 =	smov.u32 s10;
	p2 =	sgt.s32 s14, $0xC7  }
0x16: {  	s16 =	smov.u32 @p2 s12  }
0x17: {  	s14 =	simm.s32 @p2 $0x0;
	p2 =	sgt.s32 s16, $0x3FFF  }
0x18: {  	s16 =	smov.u32 @p2 s2;
	p2 =	sne.s32 s11, s7  }
.Ltmp1:
0x19: {  	p1 =	slt.u32 s11, $0x2;
	(pc) =	sbr.rel @!p2 .LBB1_6-.Ltmp1, $4  }
0x1a: {  	s15 =	simm.s32 @!p1 $0x2  }
0x1b: {  	s13 =	smov.u32 s10;
	p0 =	por !p0, !p0;
	_ =	swait.ge @!p1 [sflag:s15], $0x1000  }
0x1c: {  	s12 =	smov.u32 s9;
	[sflag:s15] =	ssyncset.done @!p1 $0x0;
	s9 =	smov.u32 s14  }
0x1d: {  	s11 =	sadd.s32 $0x1, s11;
	[sflag:s15] =	ssyncadd.s32 @!p1 $0xFFFFF000;
	s10 =	smov.u32 s16  }
.LBB1_1:
0x1e: {  	p1 =	sge.u32 s11, s5  }
0x1f: {  	s14 =	sand.u32 @!p1 $0x1FFFFFF, s9  }
0x20: {  	s15 =	smulhi.u32 @!p1 $0x147AE15, s14;
	_ =	sdelay $0x1  }
0x21: {  	s15 =	smul.u32 @!p1 $0xC8, s15  }
0x22: {  	s16 =	sxor.u32 @!p1 $0xFFFFFFFF, s11;
	s17 =	smul.u32 @!p1 $0xC80, s10  }
0x23: {  	s31 =	sadd.s32 $0xFFFFFFFF, s11;
	s16 =	sshll.u32 @!p1 s16, $0xC;
	s14 =	ssub.s32 @!p1 s14, s15  }
0x24: {  	s15 =	sand.u32 @!p1 $0x1000, s16;
	s16 =	sadd.s32 @!p1 s6, s17;
	s14 =	sshll.u32 @!p1 s14, $0x4  }
0x25: {  	s17 =	simm.s32 @!p1 $0x6400;
	s14 =	sadd.s32 @!p1 s14, s16;
	s16 =	simm.s32 @!p1 $0x20  }
0x26: {  	[tilespmem:s15], [sflag:$0x1] =	stream.strided.gather @!p1 [hbm4b:s14+s16], $0x1000, s17, s16, $0x38;
	[tilespmem:$0x4040] =	vst v63  }
0x27: {  	p1 =	sge.u32 s31, s5  }
.Ltmp2:
0x28: {  	_ = 	snop;
	(pc) =	sbr.rel @p1 .LBB1_5-.Ltmp2, $1  }
0x29: {  	_ =	sdelay $0x3  }
0x2a: {  	s14 =	simm.s32 $0x1  }
0x2b: {  	_ =	swait.ge [sflag:s4], $0x1000;
	s14 =	simm.s32 @!p0 $0x0  }
0x2c: {  	[sflag:s4] =	ssyncset.done $0x0;
	s15 =	sshll.u32 s14, $0xC  }
0x2d: {  	[sflag:s4] =	ssyncadd.s32 $0xFFFFF000;
	s18 =	sor.u32 $0x10, s15  }
0x2e: {  	s14 =	smul.u32 $0x4080, s14;
	v1 =	vld [tilespmem:s18+$0x0]  }
0x2f: {  	s30 =	sand.u32 $0x1, s11;
	v0 =	vld [tilespmem:s18+$0xFFFFFFF0]  }
0x30: {  	s15 =	smul.u32 $0x4080, s30;
	s14 =	sshrl.u32 s14, $0x2  }
0x31: {  	s16 =	sor.u32 $0x2000, s14  }
0x32: {  	s31 =	sshrl.u32 s15, $0x2;
	s15 =	sadd.s32 $0x0, s16  }
0x33: {  	s17 =	simm.s32 $0x4;
	s18 =	sadd.s32 $0x20, s18;
	s14 =	sor.u32 $0x2000, s31;
	[tilespmem:s15+$0x810 ss:$0x81] =	vst.msk $0xffff, v1  }
.LBB1_3:
0x34: {  	v1 =	vld [tilespmem:s18+$0x0];
	p1 =	sne.s32 s17, $0x1FC;
	[tilespmem:s15+$0x0 ss:$0x81] =	vst.msk $0xffff, v0;
	s15 =	smov.u32 s17;
	s17 =	sadd.s32 $0x4, s17  }
.Ltmp3:
0x35: {  	v0 =	vld [tilespmem:s18+$0xFFFFFFF0];
	(pc) =	sbr.rel @p1 .LBB1_3-.Ltmp3, $4  }
0x36: {  	_ = 	snop  }
0x37: {  	s15 =	sshra.s32 s15, $0x2  }
0x38: {  	s15 =	sadd.s32 s15, s16  }
0x39: {  	s18 =	sadd.s32 $0x20, s18;
	[tilespmem:s15+$0x810 ss:$0x81] =	vst.msk $0xffff, v1  }
.Ltmp4:
0x3a: {  	_ = 	snop;
	(pc) =	sbr.rel .LBB1_4-.Ltmp4, $1  }
0x3b: {  	_ =	sdelay $0x3  }
.LBB1_6:
0x3c: {  	_ =	sfence.sel $0x180000  }
0x3d: {  	s2 =	simm.s32 $0x1;
	[bflag:$0x0] =	sbarrier.arrive $0xFFFF  }
0x3e: {  	s31 =	simm.s32 $0x2;
	[sflag:s2] =	ssyncpa.u1 $0x1  }
0x3f: {  	[sflag:s31] =	ssyncpa.u1 $0x1  }
0x40: {  	p0 =	sne.s32 s0, $0x0;
	_ =	strace $0x9000004A  }
0x41: {  	s0 =	sadd.s32 @!p0 $0x100000, s1;
	[bflag:$0x2] =	sbarrier.arrive $0xFFFF  }
0x42: {  	[sflag:s0] =	ssyncadd.tile.s32 @!p0 $0x1;
	_ =	shalt  }
.Lfunc_end1:
_tile_overlayer_lowered:
.L_overlay_start_2:
0x43: {  	(tag) =	ssettag $0x2  }
0x44: {  	s0 =	rddreg [dreg:$0x0];
	s2 =	stileid.u32  }
0x45: {  	s1 =	rddreg [dreg:$0x1];
	p0 =	sne.s32 s2, $0x0  }
0x46: {  	s3 =	rddreg [dreg:$0x2];
	[bflag:$0x3] =	sbarrier.arrive $0xFFFF;
	s2 =	simm.s32 @!p0 $0x1C01  }
0x47: {  	[timem:s3], [sflag:s2] =	dma.local @!p0 [hbm:s0], s1  }
0x48: {  	s0 =	simm.s32 @!p0 $0x1  }
0x49: {  	_ =	swait.ge @!p0 [sflag:s0], s1  }
0x4a: {  	s1 =	ssub.s32 @!p0 $0x0, s1;
	[sflag:s0] =	ssyncset.done @!p0 $0x0  }
0x4b: {  	[sflag:s0] =	ssyncadd.s32 @!p0 s1  }
0x4c: {  	[bflag:$0x3] =	sbarrier.arrive $0xFFFF  }
0x4d: {  	_ =	shalt  }

</sc_bundles>
